<compile_context>
chip_gen: v7x
topology: tpu7x:2x2x1
jax: 0.10.2.dev20260603
libtpu: 0.0.44.dev20260713+nightly
codegen_flags: <defaults>
</compile_context>

<pallas_src>
import functools

import jax
import jax.numpy as jnp
from jax import lax
from jax.experimental import pallas as pl
from jax.experimental.pallas import tpu as pltpu
from jax.experimental.pallas import tpu_sc as plsc

NUM_MODES = 64
N_NODES = 4
B_TOK = 32768
MU_MIN = 0.1
MU_MAX = 1.5

_info = plsc.get_sparse_core_info()
NC = _info.num_cores
NS = _info.num_subcores
L = _info.num_lanes
NW = NC * NS
TOK_W = B_TOK // NW
STEPS = TOK_W // L
ME = NUM_MODES * N_NODES * N_NODES
N_CHUNK = NUM_MODES // L


def _sigmoid(x):
    return 1.0 / (1.0 + jnp.exp(-x))


XROWS = B_TOK * N_NODES // 128
ROW_W = XROWS // NW


@functools.partial(
    pl.kernel,
    out_type=jax.ShapeDtypeStruct((XROWS, 128), jnp.float32),
    mesh=plsc.VectorSubcoreMesh(core_axis_name="c", subcore_axis_name="s"),
    compiler_params=pltpu.CompilerParams(needs_layout_passes=False),
    scratch_types=[
        pltpu.VMEM((ROW_W, 128), jnp.float32),
        pltpu.VMEM((TOK_W,), jnp.int32),
        pltpu.VMEM((ME,), jnp.float32),
        pltpu.VMEM((ME,), jnp.float32),
        pltpu.VMEM((NUM_MODES * N_NODES,), jnp.float32),
        pltpu.VMEM((NUM_MODES,), jnp.float32),
        pltpu.VMEM((NUM_MODES,), jnp.float32),
        pltpu.VMEM((L,), jnp.float32),
        pltpu.VMEM((ROW_W, 128), jnp.float32),
        pltpu.SemaphoreType.DMA,
    ],
)
def _sc_forward(Xf, zf, Gf, muf, alf, bef, dtf, outf,
                Xv, zv, Av, Gv, muv, alv, bev, dtv, outv, sem):
    w = lax.axis_index("s") * NC + lax.axis_index("c")

    copies = [
        pltpu.async_copy(Xf.at[pl.ds(w * ROW_W, ROW_W), :], Xv, sem),
        pltpu.async_copy(zf.at[pl.ds(w * TOK_W, TOK_W)], zv, sem),
        pltpu.async_copy(Gf, Gv, sem),
        pltpu.async_copy(muf, muv, sem),
        pltpu.async_copy(alf, alv, sem),
        pltpu.async_copy(bef, bev, sem),
        pltpu.async_copy(dtf, dtv, sem),
    ]
    for c in copies:
        c.wait()

    k = lax.iota(jnp.int32, L)
    dt = dtv[...]

    OFFD = [(0, 1), (0, 2), (0, 3), (1, 2), (1, 3), (2, 3)]
    for c in range(N_CHUNK):
        mb = 256 * c + 16 * k
        g = [plsc.load_gather(Gv, [mb + p]) for p in range(16)]
        a = plsc.load_gather(alv, [16 * c + k])
        bb = plsc.load_gather(bev, [16 * c + k])
        dtb = dt * bb
        sig = {}
        for (i, j) in OFFD:
            sig[(i, j)] = _sigmoid(0.5 * (g[4 * i + j] + g[4 * j + i]))
        for (i, j) in OFFD:
            plsc.store_scatter(Av, [mb + (4 * i + j)], dtb * sig[(i, j)])
        for i in range(N_NODES):
            deg = None
            for j in range(N_NODES):
                if j == i:
                    continue
                t = sig[(min(i, j), max(i, j))]
                deg = t if deg is None else deg + t
            mus = MU_MIN + (MU_MAX - MU_MIN) * _sigmoid(
                plsc.load_gather(muv, [64 * c + 4 * k + i]))
            plsc.store_scatter(Av, [mb + 5 * i], 1.0 + dt * (mus + a * deg))

    @plsc.parallel_loop(0, STEPS, 1, unroll=2)
    def step(s):
        t16 = s * L
        zs = zv[pl.ds(t16, L)]
        xb = (t16 + k) * N_NODES
        xr = lax.shift_right_logical(xb, 7)
        xc = lax.bitwise_and(xb, 127)
        x0 = plsc.load_gather(Xv, [xr, xc])
        x1 = plsc.load_gather(Xv, [xr, xc + 1])
        x2 = plsc.load_gather(Xv, [xr, xc + 2])
        x3 = plsc.load_gather(Xv, [xr, xc + 3])
        ab = zs * 16
        d0 = plsc.load_gather(Av, [ab])
        d1 = plsc.load_gather(Av, [ab + 5])
        d2 = plsc.load_gather(Av, [ab + 10])
        d3 = plsc.load_gather(Av, [ab + 15])
        a01 = plsc.load_gather(Av, [ab + 1])
        a02 = plsc.load_gather(Av, [ab + 2])
        a03 = plsc.load_gather(Av, [ab + 3])
        a12 = plsc.load_gather(Av, [ab + 6])
        a13 = plsc.load_gather(Av, [ab + 7])
        a23 = plsc.load_gather(Av, [ab + 11])
        o0 = d0 * x0 + a01 * x1 + a02 * x2 + a03 * x3 - dt * (x0 * x0 * x0)
        o1 = a01 * x0 + d1 * x1 + a12 * x2 + a13 * x3 - dt * (x1 * x1 * x1)
        o2 = a02 * x0 + a12 * x1 + d2 * x2 + a23 * x3 - dt * (x2 * x2 * x2)
        o3 = a03 * x0 + a13 * x1 + a23 * x2 + d3 * x3 - dt * (x3 * x3 * x3)
        plsc.store_scatter(outv, [xr, xc], o0)
        plsc.store_scatter(outv, [xr, xc + 1], o1)
        plsc.store_scatter(outv, [xr, xc + 2], o2)
        plsc.store_scatter(outv, [xr, xc + 3], o3)

    pltpu.sync_copy(outv, outf.at[pl.ds(w * ROW_W, ROW_W), :])


def kernel(X, graph_logits, mu_logits, alpha_param, beta_param, z, dt_val):
    Xf = X.reshape(XROWS, 128)
    zf = z.astype(jnp.int32)
    Gf = graph_logits.reshape(-1).astype(jnp.float32)
    muf = mu_logits.reshape(-1).astype(jnp.float32)
    dtf = jnp.full((L,), dt_val, dtype=jnp.float32)
    outf = _sc_forward(Xf, zf, Gf, muf,
                       alpha_param.astype(jnp.float32),
                       beta_param.astype(jnp.float32), dtf)
    return outf.reshape(B_TOK, N_NODES)

# --- scband reference (transcript-rebuilt; emitter-appended) ---
"""Pipeline reference for scband-bistable-bank-68418829025680 (READ-ONLY COPY).

The authoritative reference and input builder live on the scoring server;
editing this copy changes nothing except your own understanding.
"""

import jax, jax.numpy as jnp
import numpy as np

NUM_MODES = 64
NUM_NODES = 4
MU_MIN = 0.1
MU_MAX = 1.5
B = 32768


def setup_inputs(seed: int = 0) -> dict:
    key = jax.random.key(seed)
    k1, k2, k3, k4, k5, k6 = jax.random.split(key, 6)
    X = jax.random.normal(k1, (B, NUM_NODES), dtype=jnp.float32)
    z = jax.random.randint(k2, (B,), 0, NUM_MODES)
    graph_logits = 0.1 * jax.random.normal(k3, (NUM_MODES, NUM_NODES, NUM_NODES), dtype=jnp.float32)
    mu_logits = 0.1 * jax.random.normal(k4, (NUM_MODES, NUM_NODES), dtype=jnp.float32)
    alpha_param = 0.1 * jax.random.normal(k5, (NUM_MODES,), dtype=jnp.float32)
    beta_param = 0.1 * jax.random.normal(k6, (NUM_MODES,), dtype=jnp.float32)
    return {
        "X": X,
        "graph_logits": graph_logits,
        "mu_logits": mu_logits,
        "alpha_param": alpha_param,
        "beta_param": beta_param,
        "z": z,
        "dt_val": 1,
    }


def reference(X, graph_logits, mu_logits, alpha_param, beta_param, z, dt_val):
    # BistableModeBank.graphs(): symmetrize, sigmoid, zero diagonal
    S = 0.5 * (graph_logits + jnp.transpose(graph_logits, (0, 2, 1)))
    W = jax.nn.sigmoid(S) * (1.0 - jnp.eye(graph_logits.shape[-1], dtype=graph_logits.dtype)[None])
    # BistableModeBank.mus()
    mus = MU_MIN + (MU_MAX - MU_MIN) * jax.nn.sigmoid(mu_logits)
    # forward_grouped: each token uses the params of its routed mode z[b].
    # Mathematically identical to looping over modes and scattering out[idx] = mode_step(X[idx], r).
    W_tok = jnp.take(W, z, axis=0)                 # [B, N, N]
    mu_tok = jnp.take(mus, z, axis=0)              # [B, N]
    a_tok = jnp.take(alpha_param, z, axis=0)[:, None]  # [B, 1]
    b_tok = jnp.take(beta_param, z, axis=0)[:, None]   # [B, 1]
    local = mu_tok * X - X ** 3
    deg_tok = W_tok.sum(axis=-1)                   # [B, N]
    coupling = a_tok * deg_tok * X + b_tok * jnp.einsum('bij,bj->bi', W_tok, X)
    return X + dt_val * (local + coupling)

if __name__ == "__main__":
    import jax
    _d = setup_inputs()
    print(jax.jit(kernel)(*tuple(_d.values())))

</pallas_src>

<mosaic_0001>
#map = affine_map<(d0, d1) -> (0, 0)>
#map1 = affine_map<(d0, d1) -> (0)>
module attributes {stable_mosaic.version = 14 : i64} {
  func.func @_sc_forward(%arg0: i32, %arg1: i32, %arg2: memref<1024x128xf32, #tpu.memory_space<hbm>>, %arg3: memref<32768xi32, #tpu.memory_space<hbm>>, %arg4: memref<1024xf32, #tpu.memory_space<hbm>>, %arg5: memref<256xf32, #tpu.memory_space<hbm>>, %arg6: memref<64xf32, #tpu.memory_space<hbm>>, %arg7: memref<64xf32, #tpu.memory_space<hbm>>, %arg8: memref<16xf32, #tpu.memory_space<hbm>>, %arg9: memref<1024x128xf32, #tpu.memory_space<hbm>>, %arg10: memref<32x128xf32, #tpu.memory_space<vmem>>, %arg11: memref<1024xi32, #tpu.memory_space<vmem>>, %arg12: memref<1024xf32, #tpu.memory_space<vmem>>, %arg13: memref<1024xf32, #tpu.memory_space<vmem>>, %arg14: memref<256xf32, #tpu.memory_space<vmem>>, %arg15: memref<64xf32, #tpu.memory_space<vmem>>, %arg16: memref<64xf32, #tpu.memory_space<vmem>>, %arg17: memref<16xf32, #tpu.memory_space<vmem>>, %arg18: memref<32x128xf32, #tpu.memory_space<vmem>>, %arg19: memref<!tpu.dma_semaphore, #tpu.memory_space<semaphore_mem>>) attributes {dimension_semantics = [#tpu.dimension_semantics<core_parallel>, #tpu.dimension_semantics<subcore_parallel>], iteration_bounds = array<i64: 2, 16>, scalar_prefetch = 0 : i64, scratch_operands = 10 : i64, tpu.core_type = #tpu.core_type<sc_vector_subcore>, window_params = [{transform_indices = #map}, {transform_indices = #map1}, {transform_indices = #map1}, {transform_indices = #map1}, {transform_indices = #map1}, {transform_indices = #map1}, {transform_indices = #map1}, {transform_indices = #map}]} {
    %mul3A = arith.constant 2 : i32
    %mul3A_0 = arith.muli %arg1, %mul3A : i32
    %add3A = arith.addi %mul3A_0, %arg0 : i32
    %mul3A_1 = arith.constant 32 : i32
    %mul3A_2 = arith.muli %add3A, %mul3A_1 : i32
    %dma_start3A = arith.constant 0 : i32
    %dma_start3A_3 = tpu.memref_slice %arg2[%mul3A_2, %dma_start3A] : memref<1024x128xf32, #tpu.memory_space<hbm>> -> memref<32x128xf32, #tpu.memory_space<hbm>>
    %dma_start3A_4 = arith.constant 0 : i32
    %dma_start3A_5 = tpu.memref_slice %arg2[%mul3A_2, %dma_start3A_4] : memref<1024x128xf32, #tpu.memory_space<hbm>> -> memref<32x128xf32, #tpu.memory_space<hbm>>
    tpu.enqueue_dma source(%dma_start3A_5 : memref<32x128xf32, #tpu.memory_space<hbm>>) target(%arg10 : memref<32x128xf32, #tpu.memory_space<vmem>>) target_semaphore(%arg19 : memref<!tpu.dma_semaphore, #tpu.memory_space<semaphore_mem>>)
    %mul3A_6 = arith.constant 1024 : i32
    %mul3A_7 = arith.muli %add3A, %mul3A_6 : i32
    %dma_start3A_8 = tpu.memref_slice %arg3[%mul3A_7] : memref<32768xi32, #tpu.memory_space<hbm>> -> memref<1024xi32, #tpu.memory_space<hbm>>
    %dma_start3A_9 = tpu.memref_slice %arg3[%mul3A_7] : memref<32768xi32, #tpu.memory_space<hbm>> -> memref<1024xi32, #tpu.memory_space<hbm>>
    tpu.enqueue_dma source(%dma_start3A_9 : memref<1024xi32, #tpu.memory_space<hbm>>) target(%arg11 : memref<1024xi32, #tpu.memory_space<vmem>>) target_semaphore(%arg19 : memref<!tpu.dma_semaphore, #tpu.memory_space<semaphore_mem>>)
    tpu.enqueue_dma source(%arg4 : memref<1024xf32, #tpu.memory_space<hbm>>) target(%arg13 : memref<1024xf32, #tpu.memory_space<vmem>>) target_semaphore(%arg19 : memref<!tpu.dma_semaphore, #tpu.memory_space<semaphore_mem>>)
    tpu.enqueue_dma source(%arg5 : memref<256xf32, #tpu.memory_space<hbm>>) target(%arg14 : memref<256xf32, #tpu.memory_space<vmem>>) target_semaphore(%arg19 : memref<!tpu.dma_semaphore, #tpu.memory_space<semaphore_mem>>)
    tpu.enqueue_dma source(%arg6 : memref<64xf32, #tpu.memory_space<hbm>>) target(%arg15 : memref<64xf32, #tpu.memory_space<vmem>>) target_semaphore(%arg19 : memref<!tpu.dma_semaphore, #tpu.memory_space<semaphore_mem>>)
    tpu.enqueue_dma source(%arg7 : memref<64xf32, #tpu.memory_space<hbm>>) target(%arg16 : memref<64xf32, #tpu.memory_space<vmem>>) target_semaphore(%arg19 : memref<!tpu.dma_semaphore, #tpu.memory_space<semaphore_mem>>)
    tpu.enqueue_dma source(%arg8 : memref<16xf32, #tpu.memory_space<hbm>>) target(%arg17 : memref<16xf32, #tpu.memory_space<vmem>>) target_semaphore(%arg19 : memref<!tpu.dma_semaphore, #tpu.memory_space<semaphore_mem>>)
    %dma_wait3A = arith.constant 0 : i32
    %dma_wait3A_10 = tpu.memref_slice %arg2[%mul3A_2, %dma_wait3A] : memref<1024x128xf32, #tpu.memory_space<hbm>> -> memref<32x128xf32, #tpu.memory_space<hbm>>
    %dma_wait3A_11 = arith.constant 0 : i32
    %dma_wait3A_12 = tpu.memref_slice %arg2[%mul3A_2, %dma_wait3A_11] : memref<1024x128xf32, #tpu.memory_space<hbm>> -> memref<32x128xf32, #tpu.memory_space<hbm>>
    tpu.wait_dma2 semaphore(%arg19 : memref<!tpu.dma_semaphore, #tpu.memory_space<semaphore_mem>>) src(%dma_wait3A_12 : memref<32x128xf32, #tpu.memory_space<hbm>>) dst(%arg10 : memref<32x128xf32, #tpu.memory_space<vmem>>)
    %dma_wait3A_13 = tpu.memref_slice %arg3[%mul3A_7] : memref<32768xi32, #tpu.memory_space<hbm>> -> memref<1024xi32, #tpu.memory_space<hbm>>
    %dma_wait3A_14 = tpu.memref_slice %arg3[%mul3A_7] : memref<32768xi32, #tpu.memory_space<hbm>> -> memref<1024xi32, #tpu.memory_space<hbm>>
    tpu.wait_dma2 semaphore(%arg19 : memref<!tpu.dma_semaphore, #tpu.memory_space<semaphore_mem>>) src(%dma_wait3A_14 : memref<1024xi32, #tpu.memory_space<hbm>>) dst(%arg11 : memref<1024xi32, #tpu.memory_space<vmem>>)
    tpu.wait_dma2 semaphore(%arg19 : memref<!tpu.dma_semaphore, #tpu.memory_space<semaphore_mem>>) src(%arg4 : memref<1024xf32, #tpu.memory_space<hbm>>) dst(%arg13 : memref<1024xf32, #tpu.memory_space<vmem>>)
    tpu.wait_dma2 semaphore(%arg19 : memref<!tpu.dma_semaphore, #tpu.memory_space<semaphore_mem>>) src(%arg5 : memref<256xf32, #tpu.memory_space<hbm>>) dst(%arg14 : memref<256xf32, #tpu.memory_space<vmem>>)
    tpu.wait_dma2 semaphore(%arg19 : memref<!tpu.dma_semaphore, #tpu.memory_space<semaphore_mem>>) src(%arg6 : memref<64xf32, #tpu.memory_space<hbm>>) dst(%arg15 : memref<64xf32, #tpu.memory_space<vmem>>)
    tpu.wait_dma2 semaphore(%arg19 : memref<!tpu.dma_semaphore, #tpu.memory_space<semaphore_mem>>) src(%arg7 : memref<64xf32, #tpu.memory_space<hbm>>) dst(%arg16 : memref<64xf32, #tpu.memory_space<vmem>>)
    tpu.wait_dma2 semaphore(%arg19 : memref<!tpu.dma_semaphore, #tpu.memory_space<semaphore_mem>>) src(%arg8 : memref<16xf32, #tpu.memory_space<hbm>>) dst(%arg17 : memref<16xf32, #tpu.memory_space<vmem>>)
    %iota3A = tpu.iota {dimensions = array<i32: 0>} : vector<16xi32>
    %get3A = arith.constant 0 : index
    %get3A_15 = tpu.vector_load %arg17[%get3A] {strides = array<i32>} : memref<16xf32, #tpu.memory_space<vmem>>, vector<16xf32>,
    %mul3A_16 = arith.constant 16 : i32
    %mul3A_17 = vector.broadcast %mul3A_16 : i32 to vector<16xi32>
    %mul3A_18 = arith.muli %mul3A_17, %iota3A : vector<16xi32>
    %add3A_19 = arith.constant 0 : i32
    %add3A_20 = vector.broadcast %add3A_19 : i32 to vector<16xi32>
    %add3A_21 = arith.addi %add3A_20, %mul3A_18 : vector<16xi32>
    %add3A_22 = arith.constant 0 : i32
    %add3A_23 = vector.broadcast %add3A_22 : i32 to vector<16xi32>
    %add3A_24 = arith.addi %add3A_21, %add3A_23 : vector<16xi32>
    %gather3A = tpu.vector_load_idx %arg13[%add3A_24] : memref<1024xf32, #tpu.memory_space<vmem>>[vector<16xi32>], vector<16xf32>,
    %add3A_25 = arith.constant 1 : i32
    %add3A_26 = vector.broadcast %add3A_25 : i32 to vector<16xi32>
    %add3A_27 = arith.addi %add3A_21, %add3A_26 : vector<16xi32>
    %gather3A_28 = tpu.vector_load_idx %arg13[%add3A_27] : memref<1024xf32, #tpu.memory_space<vmem>>[vector<16xi32>], vector<16xf32>,
    %add3A_29 = arith.constant 2 : i32
    %add3A_30 = vector.broadcast %add3A_29 : i32 to vector<16xi32>
    %add3A_31 = arith.addi %add3A_21, %add3A_30 : vector<16xi32>
    %gather3A_32 = tpu.vector_load_idx %arg13[%add3A_31] : memref<1024xf32, #tpu.memory_space<vmem>>[vector<16xi32>], vector<16xf32>,
    %add3A_33 = arith.constant 3 : i32
    %add3A_34 = vector.broadcast %add3A_33 : i32 to vector<16xi32>
    %add3A_35 = arith.addi %add3A_21, %add3A_34 : vector<16xi32>
    %gather3A_36 = tpu.vector_load_idx %arg13[%add3A_35] : memref<1024xf32, #tpu.memory_space<vmem>>[vector<16xi32>], vector<16xf32>,
    %add3A_37 = arith.constant 4 : i32
    %add3A_38 = vector.broadcast %add3A_37 : i32 to vector<16xi32>
    %add3A_39 = arith.addi %add3A_21, %add3A_38 : vector<16xi32>
    %gather3A_40 = tpu.vector_load_idx %arg13[%add3A_39] : memref<1024xf32, #tpu.memory_space<vmem>>[vector<16xi32>], vector<16xf32>,
    %add3A_41 = arith.constant 5 : i32
    %add3A_42 = vector.broadcast %add3A_41 : i32 to vector<16xi32>
    %add3A_43 = arith.addi %add3A_21, %add3A_42 : vector<16xi32>
    %gather3A_44 = tpu.vector_load_idx %arg13[%add3A_43] : memref<1024xf32, #tpu.memory_space<vmem>>[vector<16xi32>], vector<16xf32>,
    %add3A_45 = arith.constant 6 : i32
    %add3A_46 = vector.broadcast %add3A_45 : i32 to vector<16xi32>
    %add3A_47 = arith.addi %add3A_21, %add3A_46 : vector<16xi32>
    %gather3A_48 = tpu.vector_load_idx %arg13[%add3A_47] : memref<1024xf32, #tpu.memory_space<vmem>>[vector<16xi32>], vector<16xf32>,
    %add3A_49 = arith.constant 7 : i32
    %add3A_50 = vector.broadcast %add3A_49 : i32 to vector<16xi32>
    %add3A_51 = arith.addi %add3A_21, %add3A_50 : vector<16xi32>
    %gather3A_52 = tpu.vector_load_idx %arg13[%add3A_51] : memref<1024xf32, #tpu.memory_space<vmem>>[vector<16xi32>], vector<16xf32>,
    %add3A_53 = arith.constant 8 : i32
    %add3A_54 = vector.broadcast %add3A_53 : i32 to vector<16xi32>
    %add3A_55 = arith.addi %add3A_21, %add3A_54 : vector<16xi32>
    %gather3A_56 = tpu.vector_load_idx %arg13[%add3A_55] : memref<1024xf32, #tpu.memory_space<vmem>>[vector<16xi32>], vector<16xf32>,
    %add3A_57 = arith.constant 9 : i32
    %add3A_58 = vector.broadcast %add3A_57 : i32 to vector<16xi32>
    %add3A_59 = arith.addi %add3A_21, %add3A_58 : vector<16xi32>
    %gather3A_60 = tpu.vector_load_idx %arg13[%add3A_59] : memref<1024xf32, #tpu.memory_space<vmem>>[vector<16xi32>], vector<16xf32>,
    %add3A_61 = arith.constant 10 : i32
    %add3A_62 = vector.broadcast %add3A_61 : i32 to vector<16xi32>
    %add3A_63 = arith.addi %add3A_21, %add3A_62 : vector<16xi32>
    %gather3A_64 = tpu.vector_load_idx %arg13[%add3A_63] : memref<1024xf32, #tpu.memory_space<vmem>>[vector<16xi32>], vector<16xf32>,
    %add3A_65 = arith.constant 11 : i32
    %add3A_66 = vector.broadcast %add3A_65 : i32 to vector<16xi32>
    %add3A_67 = arith.addi %add3A_21, %add3A_66 : vector<16xi32>
    %gather3A_68 = tpu.vector_load_idx %arg13[%add3A_67] : memref<1024xf32, #tpu.memory_space<vmem>>[vector<16xi32>], vector<16xf32>,
    %add3A_69 = arith.constant 12 : i32
    %add3A_70 = vector.broadcast %add3A_69 : i32 to vector<16xi32>
    %add3A_71 = arith.addi %add3A_21, %add3A_70 : vector<16xi32>
    %gather3A_72 = tpu.vector_load_idx %arg13[%add3A_71] : memref<1024xf32, #tpu.memory_space<vmem>>[vector<16xi32>], vector<16xf32>,
    %add3A_73 = arith.constant 13 : i32
    %add3A_74 = vector.broadcast %add3A_73 : i32 to vector<16xi32>
    %add3A_75 = arith.addi %add3A_21, %add3A_74 : vector<16xi32>
    %gather3A_76 = tpu.vector_load_idx %arg13[%add3A_75] : memref<1024xf32, #tpu.memory_space<vmem>>[vector<16xi32>], vector<16xf32>,
    %add3A_77 = arith.constant 14 : i32
    %add3A_78 = vector.broadcast %add3A_77 : i32 to vector<16xi32>
    %add3A_79 = arith.addi %add3A_21, %add3A_78 : vector<16xi32>
    %gather3A_80 = tpu.vector_load_idx %arg13[%add3A_79] : memref<1024xf32, #tpu.memory_space<vmem>>[vector<16xi32>], vector<16xf32>,
    %add3A_81 = arith.constant 15 : i32
    %add3A_82 = vector.broadcast %add3A_81 : i32 to vector<16xi32>
    %add3A_83 = arith.addi %add3A_21, %add3A_82 : vector<16xi32>
    %gather3A_84 = tpu.vector_load_idx %arg13[%add3A_83] : memref<1024xf32, #tpu.memory_space<vmem>>[vector<16xi32>], vector<16xf32>,
    %add3A_85 = arith.constant 0 : i32
    %add3A_86 = vector.broadcast %add3A_85 : i32 to vector<16xi32>
    %add3A_87 = arith.addi %add3A_86, %iota3A : vector<16xi32>
    %gather3A_88 = tpu.vector_load_idx %arg15[%add3A_87] : memref<64xf32, #tpu.memory_space<vmem>>[vector<16xi32>], vector<16xf32>,
    %add3A_89 = arith.constant 0 : i32
    %add3A_90 = vector.broadcast %add3A_89 : i32 to vector<16xi32>
    %add3A_91 = arith.addi %add3A_90, %iota3A : vector<16xi32>
    %gather3A_92 = tpu.vector_load_idx %arg16[%add3A_91] : memref<64xf32, #tpu.memory_space<vmem>>[vector<16xi32>], vector<16xf32>,
    %mul3A_93 = arith.mulf %get3A_15, %gather3A_92 : vector<16xf32>
    %add3A_94 = arith.addf %gather3A_28, %gather3A_40 : vector<16xf32>
    %mul3A_95 = arith.constant 5.000000e-01 : f32
    %mul3A_96 = vector.broadcast %mul3A_95 : f32 to vector<16xf32>
    %mul3A_97 = arith.mulf %mul3A_96, %add3A_94 : vector<16xf32>
    %neg3A = arith.constant 0.000000e+00 : f32
    %neg3A_98 = vector.broadcast %neg3A : f32 to vector<16xf32>
    %neg3A_99 = arith.subf %neg3A_98, %mul3A_97 : vector<16xf32>
    %exp3A = math.exp %neg3A_99 : vector<16xf32>
    %add3A_100 = arith.constant 1.000000e+00 : f32
    %add3A_101 = vector.broadcast %add3A_100 : f32 to vector<16xf32>
    %add3A_102 = arith.addf %add3A_101, %exp3A : vector<16xf32>
    %div3A = arith.constant 1.000000e+00 : f32
    %div3A_103 = vector.broadcast %div3A : f32 to vector<16xf32>
    %div3A_104 = arith.divf %div3A_103, %add3A_102 : vector<16xf32>
    %add3A_105 = arith.addf %gather3A_32, %gather3A_56 : vector<16xf32>
    %mul3A_106 = arith.constant 5.000000e-01 : f32
    %mul3A_107 = vector.broadcast %mul3A_106 : f32 to vector<16xf32>
    %mul3A_108 = arith.mulf %mul3A_107, %add3A_105 : vector<16xf32>
    %neg3A_109 = arith.constant 0.000000e+00 : f32
    %neg3A_110 = vector.broadcast %neg3A_109 : f32 to vector<16xf32>
    %neg3A_111 = arith.subf %neg3A_110, %mul3A_108 : vector<16xf32>
    %exp3A_112 = math.exp %neg3A_111 : vector<16xf32>
    %add3A_113 = arith.constant 1.000000e+00 : f32
    %add3A_114 = vector.broadcast %add3A_113 : f32 to vector<16xf32>
    %add3A_115 = arith.addf %add3A_114, %exp3A_112 : vector<16xf32>
    %div3A_116 = arith.constant 1.000000e+00 : f32
    %div3A_117 = vector.broadcast %div3A_116 : f32 to vector<16xf32>
    %div3A_118 = arith.divf %div3A_117, %add3A_115 : vector<16xf32>
    %add3A_119 = arith.addf %gather3A_36, %gather3A_72 : vector<16xf32>
    %mul3A_120 = arith.constant 5.000000e-01 : f32
    %mul3A_121 = vector.broadcast %mul3A_120 : f32 to vector<16xf32>
    %mul3A_122 = arith.mulf %mul3A_121, %add3A_119 : vector<16xf32>
    %neg3A_123 = arith.constant 0.000000e+00 : f32
    %neg3A_124 = vector.broadcast %neg3A_123 : f32 to vector<16xf32>
    %neg3A_125 = arith.subf %neg3A_124, %mul3A_122 : vector<16xf32>
    %exp3A_126 = math.exp %neg3A_125 : vector<16xf32>
    %add3A_127 = arith.constant 1.000000e+00 : f32
    %add3A_128 = vector.broadcast %add3A_127 : f32 to vector<16xf32>
    %add3A_129 = arith.addf %add3A_128, %exp3A_126 : vector<16xf32>
    %div3A_130 = arith.constant 1.000000e+00 : f32
    %div3A_131 = vector.broadcast %div3A_130 : f32 to vector<16xf32>
    %div3A_132 = arith.divf %div3A_131, %add3A_129 : vector<16xf32>
    %add3A_133 = arith.addf %gather3A_48, %gather3A_60 : vector<16xf32>
    %mul3A_134 = arith.constant 5.000000e-01 : f32
    %mul3A_135 = vector.broadcast %mul3A_134 : f32 to vector<16xf32>
    %mul3A_136 = arith.mulf %mul3A_135, %add3A_133 : vector<16xf32>
    %neg3A_137 = arith.constant 0.000000e+00 : f32
    %neg3A_138 = vector.broadcast %neg3A_137 : f32 to vector<16xf32>
    %neg3A_139 = arith.subf %neg3A_138, %mul3A_136 : vector<16xf32>
    %exp3A_140 = math.exp %neg3A_139 : vector<16xf32>
    %add3A_141 = arith.constant 1.000000e+00 : f32
    %add3A_142 = vector.broadcast %add3A_141 : f32 to vector<16xf32>
    %add3A_143 = arith.addf %add3A_142, %exp3A_140 : vector<16xf32>
    %div3A_144 = arith.constant 1.000000e+00 : f32
    %div3A_145 = vector.broadcast %div3A_144 : f32 to vector<16xf32>
    %div3A_146 = arith.divf %div3A_145, %add3A_143 : vector<16xf32>
    %add3A_147 = arith.addf %gather3A_52, %gather3A_76 : vector<16xf32>
    %mul3A_148 = arith.constant 5.000000e-01 : f32
    %mul3A_149 = vector.broadcast %mul3A_148 : f32 to vector<16xf32>
    %mul3A_150 = arith.mulf %mul3A_149, %add3A_147 : vector<16xf32>
    %neg3A_151 = arith.constant 0.000000e+00 : f32
    %neg3A_152 = vector.broadcast %neg3A_151 : f32 to vector<16xf32>
    %neg3A_153 = arith.subf %neg3A_152, %mul3A_150 : vector<16xf32>
    %exp3A_154 = math.exp %neg3A_153 : vector<16xf32>
    %add3A_155 = arith.constant 1.000000e+00 : f32
    %add3A_156 = vector.broadcast %add3A_155 : f32 to vector<16xf32>
    %add3A_157 = arith.addf %add3A_156, %exp3A_154 : vector<16xf32>
    %div3A_158 = arith.constant 1.000000e+00 : f32
    %div3A_159 = vector.broadcast %div3A_158 : f32 to vector<16xf32>
    %div3A_160 = arith.divf %div3A_159, %add3A_157 : vector<16xf32>
    %add3A_161 = arith.addf %gather3A_68, %gather3A_80 : vector<16xf32>
    %mul3A_162 = arith.constant 5.000000e-01 : f32
    %mul3A_163 = vector.broadcast %mul3A_162 : f32 to vector<16xf32>
    %mul3A_164 = arith.mulf %mul3A_163, %add3A_161 : vector<16xf32>
    %neg3A_165 = arith.constant 0.000000e+00 : f32
    %neg3A_166 = vector.broadcast %neg3A_165 : f32 to vector<16xf32>
    %neg3A_167 = arith.subf %neg3A_166, %mul3A_164 : vector<16xf32>
    %exp3A_168 = math.exp %neg3A_167 : vector<16xf32>
    %add3A_169 = arith.constant 1.000000e+00 : f32
    %add3A_170 = vector.broadcast %add3A_169 : f32 to vector<16xf32>
    %add3A_171 = arith.addf %add3A_170, %exp3A_168 : vector<16xf32>
    %div3A_172 = arith.constant 1.000000e+00 : f32
    %div3A_173 = vector.broadcast %div3A_172 : f32 to vector<16xf32>
    %div3A_174 = arith.divf %div3A_173, %add3A_171 : vector<16xf32>
    %add3A_175 = arith.constant 1 : i32
    %add3A_176 = vector.broadcast %add3A_175 : i32 to vector<16xi32>
    %add3A_177 = arith.addi %add3A_21, %add3A_176 : vector<16xi32>
    %mul3A_178 = arith.mulf %mul3A_93, %div3A_104 : vector<16xf32>
    tpu.vector_store_idx %arg12[%add3A_177], %mul3A_178 : memref<1024xf32, #tpu.memory_space<vmem>>[vector<16xi32>], vector<16xf32>,
    %add3A_179 = arith.constant 2 : i32
    %add3A_180 = vector.broadcast %add3A_179 : i32 to vector<16xi32>
    %add3A_181 = arith.addi %add3A_21, %add3A_180 : vector<16xi32>
    %mul3A_182 = arith.mulf %mul3A_93, %div3A_118 : vector<16xf32>
    tpu.vector_store_idx %arg12[%add3A_181], %mul3A_182 : memref<1024xf32, #tpu.memory_space<vmem>>[vector<16xi32>], vector<16xf32>,
    %add3A_183 = arith.constant 3 : i32
    %add3A_184 = vector.broadcast %add3A_183 : i32 to vector<16xi32>
    %add3A_185 = arith.addi %add3A_21, %add3A_184 : vector<16xi32>
    %mul3A_186 = arith.mulf %mul3A_93, %div3A_132 : vector<16xf32>
    tpu.vector_store_idx %arg12[%add3A_185], %mul3A_186 : memref<1024xf32, #tpu.memory_space<vmem>>[vector<16xi32>], vector<16xf32>,
    %add3A_187 = arith.constant 6 : i32
    %add3A_188 = vector.broadcast %add3A_187 : i32 to vector<16xi32>
    %add3A_189 = arith.addi %add3A_21, %add3A_188 : vector<16xi32>
    %mul3A_190 = arith.mulf %mul3A_93, %div3A_146 : vector<16xf32>
    tpu.vector_store_idx %arg12[%add3A_189], %mul3A_190 : memref<1024xf32, #tpu.memory_space<vmem>>[vector<16xi32>], vector<16xf32>,
    %add3A_191 = arith.constant 7 : i32
    %add3A_192 = vector.broadcast %add3A_191 : i32 to vector<16xi32>
    %add3A_193 = arith.addi %add3A_21, %add3A_192 : vector<16xi32>
    %mul3A_194 = arith.mulf %mul3A_93, %div3A_160 : vector<16xf32>
    tpu.vector_store_idx %arg12[%add3A_193], %mul3A_194 : memref<1024xf32, #tpu.memory_space<vmem>>[vector<16xi32>], vector<16xf32>,
    %add3A_195 = arith.constant 11 : i32
    %add3A_196 = vector.broadcast %add3A_195 : i32 to vector<16xi32>
    %add3A_197 = arith.addi %add3A_21, %add3A_196 : vector<16xi32>
    %mul3A_198 = arith.mulf %mul3A_93, %div3A_174 : vector<16xf32>
    tpu.vector_store_idx %arg12[%add3A_197], %mul3A_198 : memref<1024xf32, #tpu.memory_space<vmem>>[vector<16xi32>], vector<16xf32>,
    %add3A_199 = arith.addf %div3A_104, %div3A_118 : vector<16xf32>
    %add3A_200 = arith.addf %add3A_199, %div3A_132 : vector<16xf32>
    %mul3A_201 = arith.constant 4 : i32
    %mul3A_202 = vector.broadcast %mul3A_201 : i32 to vector<16xi32>
    %mul3A_203 = arith.muli %mul3A_202, %iota3A : vector<16xi32>
    %add3A_204 = arith.constant 0 : i32
    %add3A_205 = vector.broadcast %add3A_204 : i32 to vector<16xi32>
    %add3A_206 = arith.addi %add3A_205, %mul3A_203 : vector<16xi32>
    %add3A_207 = arith.constant 0 : i32
    %add3A_208 = vector.broadcast %add3A_207 : i32 to vector<16xi32>
    %add3A_209 = arith.addi %add3A_206, %add3A_208 : vector<16xi32>
    %gather3A_210 = tpu.vector_load_idx %arg14[%add3A_209] : memref<256xf32, #tpu.memory_space<vmem>>[vector<16xi32>], vector<16xf32>,
    %neg3A_211 = arith.constant 0.000000e+00 : f32
    %neg3A_212 = vector.broadcast %neg3A_211 : f32 to vector<16xf32>
    %neg3A_213 = arith.subf %neg3A_212, %gather3A_210 : vector<16xf32>
    %exp3A_214 = math.exp %neg3A_213 : vector<16xf32>
    %add3A_215 = arith.constant 1.000000e+00 : f32
    %add3A_216 = vector.broadcast %add3A_215 : f32 to vector<16xf32>
    %add3A_217 = arith.addf %add3A_216, %exp3A_214 : vector<16xf32>
    %div3A_218 = arith.constant 1.000000e+00 : f32
    %div3A_219 = vector.broadcast %div3A_218 : f32 to vector<16xf32>
    %div3A_220 = arith.divf %div3A_219, %add3A_217 : vector<16xf32>
    %mul3A_221 = arith.constant 1.400000e+00 : f32
    %mul3A_222 = vector.broadcast %mul3A_221 : f32 to vector<16xf32>
    %mul3A_223 = arith.mulf %mul3A_222, %div3A_220 : vector<16xf32>
    %add3A_224 = arith.constant 1.000000e-01 : f32
    %add3A_225 = vector.broadcast %add3A_224 : f32 to vector<16xf32>
    %add3A_226 = arith.addf %add3A_225, %mul3A_223 : vector<16xf32>
    %add3A_227 = arith.constant 0 : i32
    %add3A_228 = vector.broadcast %add3A_227 : i32 to vector<16xi32>
    %add3A_229 = arith.addi %add3A_21, %add3A_228 : vector<16xi32>
    %mul3A_230 = arith.mulf %gather3A_88, %add3A_200 : vector<16xf32>
    %add3A_231 = arith.addf %add3A_226, %mul3A_230 : vector<16xf32>
    %mul3A_232 = arith.mulf %get3A_15, %add3A_231 : vector<16xf32>
    %add3A_233 = arith.constant 1.000000e+00 : f32
    %add3A_234 = vector.broadcast %add3A_233 : f32 to vector<16xf32>
    %add3A_235 = arith.addf %add3A_234, %mul3A_232 : vector<16xf32>
    tpu.vector_store_idx %arg12[%add3A_229], %add3A_235 : memref<1024xf32, #tpu.memory_space<vmem>>[vector<16xi32>], vector<16xf32>,
    %add3A_236 = arith.addf %div3A_104, %div3A_146 : vector<16xf32>
    %add3A_237 = arith.addf %add3A_236, %div3A_160 : vector<16xf32>
    %mul3A_238 = arith.constant 4 : i32
    %mul3A_239 = vector.broadcast %mul3A_238 : i32 to vector<16xi32>
    %mul3A_240 = arith.muli %mul3A_239, %iota3A : vector<16xi32>
    %add3A_241 = arith.constant 0 : i32
    %add3A_242 = vector.broadcast %add3A_241 : i32 to vector<16xi32>
    %add3A_243 = arith.addi %add3A_242, %mul3A_240 : vector<16xi32>
    %add3A_244 = arith.constant 1 : i32
    %add3A_245 = vector.broadcast %add3A_244 : i32 to vector<16xi32>
    %add3A_246 = arith.addi %add3A_243, %add3A_245 : vector<16xi32>
    %gather3A_247 = tpu.vector_load_idx %arg14[%add3A_246] : memref<256xf32, #tpu.memory_space<vmem>>[vector<16xi32>], vector<16xf32>,
    %neg3A_248 = arith.constant 0.000000e+00 : f32
    %neg3A_249 = vector.broadcast %neg3A_248 : f32 to vector<16xf32>
    %neg3A_250 = arith.subf %neg3A_249, %gather3A_247 : vector<16xf32>
    %exp3A_251 = math.exp %neg3A_250 : vector<16xf32>
    %add3A_252 = arith.constant 1.000000e+00 : f32
    %add3A_253 = vector.broadcast %add3A_252 : f32 to vector<16xf32>
    %add3A_254 = arith.addf %add3A_253, %exp3A_251 : vector<16xf32>
    %div3A_255 = arith.constant 1.000000e+00 : f32
    %div3A_256 = vector.broadcast %div3A_255 : f32 to vector<16xf32>
    %div3A_257 = arith.divf %div3A_256, %add3A_254 : vector<16xf32>
    %mul3A_258 = arith.constant 1.400000e+00 : f32
    %mul3A_259 = vector.broadcast %mul3A_258 : f32 to vector<16xf32>
    %mul3A_260 = arith.mulf %mul3A_259, %div3A_257 : vector<16xf32>
    %add3A_261 = arith.constant 1.000000e-01 : f32
    %add3A_262 = vector.broadcast %add3A_261 : f32 to vector<16xf32>
    %add3A_263 = arith.addf %add3A_262, %mul3A_260 : vector<16xf32>
    %add3A_264 = arith.constant 5 : i32
    %add3A_265 = vector.broadcast %add3A_264 : i32 to vector<16xi32>
    %add3A_266 = arith.addi %add3A_21, %add3A_265 : vector<16xi32>
    %mul3A_267 = arith.mulf %gather3A_88, %add3A_237 : vector<16xf32>
    %add3A_268 = arith.addf %add3A_263, %mul3A_267 : vector<16xf32>
    %mul3A_269 = arith.mulf %get3A_15, %add3A_268 : vector<16xf32>
    %add3A_270 = arith.constant 1.000000e+00 : f32
    %add3A_271 = vector.broadcast %add3A_270 : f32 to vector<16xf32>
    %add3A_272 = arith.addf %add3A_271, %mul3A_269 : vector<16xf32>
    tpu.vector_store_idx %arg12[%add3A_266], %add3A_272 : memref<1024xf32, #tpu.memory_space<vmem>>[vector<16xi32>], vector<16xf32>,
    %add3A_273 = arith.addf %div3A_118, %div3A_146 : vector<16xf32>
    %add3A_274 = arith.addf %add3A_273, %div3A_174 : vector<16xf32>
    %mul3A_275 = arith.constant 4 : i32
    %mul3A_276 = vector.broadcast %mul3A_275 : i32 to vector<16xi32>
    %mul3A_277 = arith.muli %mul3A_276, %iota3A : vector<16xi32>
    %add3A_278 = arith.constant 0 : i32
    %add3A_279 = vector.broadcast %add3A_278 : i32 to vector<16xi32>
    %add3A_280 = arith.addi %add3A_279, %mul3A_277 : vector<16xi32>
    %add3A_281 = arith.constant 2 : i32
    %add3A_282 = vector.broadcast %add3A_281 : i32 to vector<16xi32>
    %add3A_283 = arith.addi %add3A_280, %add3A_282 : vector<16xi32>
    %gather3A_284 = tpu.vector_load_idx %arg14[%add3A_283] : memref<256xf32, #tpu.memory_space<vmem>>[vector<16xi32>], vector<16xf32>,
    %neg3A_285 = arith.constant 0.000000e+00 : f32
    %neg3A_286 = vector.broadcast %neg3A_285 : f32 to vector<16xf32>
    %neg3A_287 = arith.subf %neg3A_286, %gather3A_284 : vector<16xf32>
    %exp3A_288 = math.exp %neg3A_287 : vector<16xf32>
    %add3A_289 = arith.constant 1.000000e+00 : f32
    %add3A_290 = vector.broadcast %add3A_289 : f32 to vector<16xf32>
    %add3A_291 = arith.addf %add3A_290, %exp3A_288 : vector<16xf32>
    %div3A_292 = arith.constant 1.000000e+00 : f32
    %div3A_293 = vector.broadcast %div3A_292 : f32 to vector<16xf32>
    %div3A_294 = arith.divf %div3A_293, %add3A_291 : vector<16xf32>
    %mul3A_295 = arith.constant 1.400000e+00 : f32
    %mul3A_296 = vector.broadcast %mul3A_295 : f32 to vector<16xf32>
    %mul3A_297 = arith.mulf %mul3A_296, %div3A_294 : vector<16xf32>
    %add3A_298 = arith.constant 1.000000e-01 : f32
    %add3A_299 = vector.broadcast %add3A_298 : f32 to vector<16xf32>
    %add3A_300 = arith.addf %add3A_299, %mul3A_297 : vector<16xf32>
    %add3A_301 = arith.constant 10 : i32
    %add3A_302 = vector.broadcast %add3A_301 : i32 to vector<16xi32>
    %add3A_303 = arith.addi %add3A_21, %add3A_302 : vector<16xi32>
    %mul3A_304 = arith.mulf %gather3A_88, %add3A_274 : vector<16xf32>
    %add3A_305 = arith.addf %add3A_300, %mul3A_304 : vector<16xf32>
    %mul3A_306 = arith.mulf %get3A_15, %add3A_305 : vector<16xf32>
    %add3A_307 = arith.constant 1.000000e+00 : f32
    %add3A_308 = vector.broadcast %add3A_307 : f32 to vector<16xf32>
    %add3A_309 = arith.addf %add3A_308, %mul3A_306 : vector<16xf32>
    tpu.vector_store_idx %arg12[%add3A_303], %add3A_309 : memref<1024xf32, #tpu.memory_space<vmem>>[vector<16xi32>], vector<16xf32>,
    %add3A_310 = arith.addf %div3A_132, %div3A_160 : vector<16xf32>
    %add3A_311 = arith.addf %add3A_310, %div3A_174 : vector<16xf32>
    %mul3A_312 = arith.constant 4 : i32
    %mul3A_313 = vector.broadcast %mul3A_312 : i32 to vector<16xi32>
    %mul3A_314 = arith.muli %mul3A_313, %iota3A : vector<16xi32>
    %add3A_315 = arith.constant 0 : i32
    %add3A_316 = vector.broadcast %add3A_315 : i32 to vector<16xi32>
    %add3A_317 = arith.addi %add3A_316, %mul3A_314 : vector<16xi32>
    %add3A_318 = arith.constant 3 : i32
    %add3A_319 = vector.broadcast %add3A_318 : i32 to vector<16xi32>
    %add3A_320 = arith.addi %add3A_317, %add3A_319 : vector<16xi32>
    %gather3A_321 = tpu.vector_load_idx %arg14[%add3A_320] : memref<256xf32, #tpu.memory_space<vmem>>[vector<16xi32>], vector<16xf32>,
    %neg3A_322 = arith.constant 0.000000e+00 : f32
    %neg3A_323 = vector.broadcast %neg3A_322 : f32 to vector<16xf32>
    %neg3A_324 = arith.subf %neg3A_323, %gather3A_321 : vector<16xf32>
    %exp3A_325 = math.exp %neg3A_324 : vector<16xf32>
    %add3A_326 = arith.constant 1.000000e+00 : f32
    %add3A_327 = vector.broadcast %add3A_326 : f32 to vector<16xf32>
    %add3A_328 = arith.addf %add3A_327, %exp3A_325 : vector<16xf32>
    %div3A_329 = arith.constant 1.000000e+00 : f32
    %div3A_330 = vector.broadcast %div3A_329 : f32 to vector<16xf32>
    %div3A_331 = arith.divf %div3A_330, %add3A_328 : vector<16xf32>
    %mul3A_332 = arith.constant 1.400000e+00 : f32
    %mul3A_333 = vector.broadcast %mul3A_332 : f32 to vector<16xf32>
    %mul3A_334 = arith.mulf %mul3A_333, %div3A_331 : vector<16xf32>
    %add3A_335 = arith.constant 1.000000e-01 : f32
    %add3A_336 = vector.broadcast %add3A_335 : f32 to vector<16xf32>
    %add3A_337 = arith.addf %add3A_336, %mul3A_334 : vector<16xf32>
    %add3A_338 = arith.constant 15 : i32
    %add3A_339 = vector.broadcast %add3A_338 : i32 to vector<16xi32>
    %add3A_340 = arith.addi %add3A_21, %add3A_339 : vector<16xi32>
    %mul3A_341 = arith.mulf %gather3A_88, %add3A_311 : vector<16xf32>
    %add3A_342 = arith.addf %add3A_337, %mul3A_341 : vector<16xf32>
    %mul3A_343 = arith.mulf %get3A_15, %add3A_342 : vector<16xf32>
    %add3A_344 = arith.constant 1.000000e+00 : f32
    %add3A_345 = vector.broadcast %add3A_344 : f32 to vector<16xf32>
    %add3A_346 = arith.addf %add3A_345, %mul3A_343 : vector<16xf32>
    tpu.vector_store_idx %arg12[%add3A_340], %add3A_346 : memref<1024xf32, #tpu.memory_space<vmem>>[vector<16xi32>], vector<16xf32>,
    %mul3A_347 = arith.constant 16 : i32
    %mul3A_348 = vector.broadcast %mul3A_347 : i32 to vector<16xi32>
    %mul3A_349 = arith.muli %mul3A_348, %iota3A : vector<16xi32>
    %add3A_350 = arith.constant 256 : i32
    %add3A_351 = vector.broadcast %add3A_350 : i32 to vector<16xi32>
    %add3A_352 = arith.addi %add3A_351, %mul3A_349 : vector<16xi32>
    %add3A_353 = arith.constant 0 : i32
    %add3A_354 = vector.broadcast %add3A_353 : i32 to vector<16xi32>
    %add3A_355 = arith.addi %add3A_352, %add3A_354 : vector<16xi32>
    %gather3A_356 = tpu.vector_load_idx %arg13[%add3A_355] : memref<1024xf32, #tpu.memory_space<vmem>>[vector<16xi32>], vector<16xf32>,
    %add3A_357 = arith.constant 1 : i32
    %add3A_358 = vector.broadcast %add3A_357 : i32 to vector<16xi32>
    %add3A_359 = arith.addi %add3A_352, %add3A_358 : vector<16xi32>
    %gather3A_360 = tpu.vector_load_idx %arg13[%add3A_359] : memref<1024xf32, #tpu.memory_space<vmem>>[vector<16xi32>], vector<16xf32>,
    %add3A_361 = arith.constant 2 : i32
    %add3A_362 = vector.broadcast %add3A_361 : i32 to vector<16xi32>
    %add3A_363 = arith.addi %add3A_352, %add3A_362 : vector<16xi32>
    %gather3A_364 = tpu.vector_load_idx %arg13[%add3A_363] : memref<1024xf32, #tpu.memory_space<vmem>>[vector<16xi32>], vector<16xf32>,
    %add3A_365 = arith.constant 3 : i32
    %add3A_366 = vector.broadcast %add3A_365 : i32 to vector<16xi32>
    %add3A_367 = arith.addi %add3A_352, %add3A_366 : vector<16xi32>
    %gather3A_368 = tpu.vector_load_idx %arg13[%add3A_367] : memref<1024xf32, #tpu.memory_space<vmem>>[vector<16xi32>], vector<16xf32>,
    %add3A_369 = arith.constant 4 : i32
    %add3A_370 = vector.broadcast %add3A_369 : i32 to vector<16xi32>
    %add3A_371 = arith.addi %add3A_352, %add3A_370 : vector<16xi32>
    %gather3A_372 = tpu.vector_load_idx %arg13[%add3A_371] : memref<1024xf32, #tpu.memory_space<vmem>>[vector<16xi32>], vector<16xf32>,
    %add3A_373 = arith.constant 5 : i32
    %add3A_374 = vector.broadcast %add3A_373 : i32 to vector<16xi32>
    %add3A_375 = arith.addi %add3A_352, %add3A_374 : vector<16xi32>
    %gather3A_376 = tpu.vector_load_idx %arg13[%add3A_375] : memref<1024xf32, #tpu.memory_space<vmem>>[vector<16xi32>], vector<16xf32>,
    %add3A_377 = arith.constant 6 : i32
    %add3A_378 = vector.broadcast %add3A_377 : i32 to vector<16xi32>
    %add3A_379 = arith.addi %add3A_352, %add3A_378 : vector<16xi32>
    %gather3A_380 = tpu.vector_load_idx %arg13[%add3A_379] : memref<1024xf32, #tpu.memory_space<vmem>>[vector<16xi32>], vector<16xf32>,
    %add3A_381 = arith.constant 7 : i32
    %add3A_382 = vector.broadcast %add3A_381 : i32 to vector<16xi32>
    %add3A_383 = arith.addi %add3A_352, %add3A_382 : vector<16xi32>
    %gather3A_384 = tpu.vector_load_idx %arg13[%add3A_383] : memref<1024xf32, #tpu.memory_space<vmem>>[vector<16xi32>], vector<16xf32>,
    %add3A_385 = arith.constant 8 : i32
    %add3A_386 = vector.broadcast %add3A_385 : i32 to vector<16xi32>
    %add3A_387 = arith.addi %add3A_352, %add3A_386 : vector<16xi32>
    %gather3A_388 = tpu.vector_load_idx %arg13[%add3A_387] : memref<1024xf32, #tpu.memory_space<vmem>>[vector<16xi32>], vector<16xf32>,
    %add3A_389 = arith.constant 9 : i32
    %add3A_390 = vector.broadcast %add3A_389 : i32 to vector<16xi32>
    %add3A_391 = arith.addi %add3A_352, %add3A_390 : vector<16xi32>
    %gather3A_392 = tpu.vector_load_idx %arg13[%add3A_391] : memref<1024xf32, #tpu.memory_space<vmem>>[vector<16xi32>], vector<16xf32>,
    %add3A_393 = arith.constant 10 : i32
    %add3A_394 = vector.broadcast %add3A_393 : i32 to vector<16xi32>
    %add3A_395 = arith.addi %add3A_352, %add3A_394 : vector<16xi32>
    %gather3A_396 = tpu.vector_load_idx %arg13[%add3A_395] : memref<1024xf32, #tpu.memory_space<vmem>>[vector<16xi32>], vector<16xf32>,
    %add3A_397 = arith.constant 11 : i32
    %add3A_398 = vector.broadcast %add3A_397 : i32 to vector<16xi32>
    %add3A_399 = arith.addi %add3A_352, %add3A_398 : vector<16xi32>
    %gather3A_400 = tpu.vector_load_idx %arg13[%add3A_399] : memref<1024xf32, #tpu.memory_space<vmem>>[vector<16xi32>], vector<16xf32>,
    %add3A_401 = arith.constant 12 : i32
    %add3A_402 = vector.broadcast %add3A_401 : i32 to vector<16xi32>
    %add3A_403 = arith.addi %add3A_352, %add3A_402 : vector<16xi32>
    %gather3A_404 = tpu.vector_load_idx %arg13[%add3A_403] : memref<1024xf32, #tpu.memory_space<vmem>>[vector<16xi32>], vector<16xf32>,
    %add3A_405 = arith.constant 13 : i32
    %add3A_406 = vector.broadcast %add3A_405 : i32 to vector<16xi32>
    %add3A_407 = arith.addi %add3A_352, %add3A_406 : vector<16xi32>
    %gather3A_408 = tpu.vector_load_idx %arg13[%add3A_407] : memref<1024xf32, #tpu.memory_space<vmem>>[vector<16xi32>], vector<16xf32>,
    %add3A_409 = arith.constant 14 : i32
    %add3A_410 = vector.broadcast %add3A_409 : i32 to vector<16xi32>
    %add3A_411 = arith.addi %add3A_352, %add3A_410 : vector<16xi32>
    %gather3A_412 = tpu.vector_load_idx %arg13[%add3A_411] : memref<1024xf32, #tpu.memory_space<vmem>>[vector<16xi32>], vector<16xf32>,
    %add3A_413 = arith.constant 15 : i32
    %add3A_414 = vector.broadcast %add3A_413 : i32 to vector<16xi32>
    %add3A_415 = arith.addi %add3A_352, %add3A_414 : vector<16xi32>
    %gather3A_416 = tpu.vector_load_idx %arg13[%add3A_415] : memref<1024xf32, #tpu.memory_space<vmem>>[vector<16xi32>], vector<16xf32>,
    %add3A_417 = arith.constant 16 : i32
    %add3A_418 = vector.broadcast %add3A_417 : i32 to vector<16xi32>
    %add3A_419 = arith.addi %add3A_418, %iota3A : vector<16xi32>
    %gather3A_420 = tpu.vector_load_idx %arg15[%add3A_419] : memref<64xf32, #tpu.memory_space<vmem>>[vector<16xi32>], vector<16xf32>,
    %add3A_421 = arith.constant 16 : i32
    %add3A_422 = vector.broadcast %add3A_421 : i32 to vector<16xi32>
    %add3A_423 = arith.addi %add3A_422, %iota3A : vector<16xi32>
    %gather3A_424 = tpu.vector_load_idx %arg16[%add3A_423] : memref<64xf32, #tpu.memory_space<vmem>>[vector<16xi32>], vector<16xf32>,
    %mul3A_425 = arith.mulf %get3A_15, %gather3A_424 : vector<16xf32>
    %add3A_426 = arith.addf %gather3A_360, %gather3A_372 : vector<16xf32>
    %mul3A_427 = arith.constant 5.000000e-01 : f32
    %mul3A_428 = vector.broadcast %mul3A_427 : f32 to vector<16xf32>
    %mul3A_429 = arith.mulf %mul3A_428, %add3A_426 : vector<16xf32>
    %neg3A_430 = arith.constant 0.000000e+00 : f32
    %neg3A_431 = vector.broadcast %neg3A_430 : f32 to vector<16xf32>
    %neg3A_432 = arith.subf %neg3A_431, %mul3A_429 : vector<16xf32>
    %exp3A_433 = math.exp %neg3A_432 : vector<16xf32>
    %add3A_434 = arith.constant 1.000000e+00 : f32
    %add3A_435 = vector.broadcast %add3A_434 : f32 to vector<16xf32>
    %add3A_436 = arith.addf %add3A_435, %exp3A_433 : vector<16xf32>
    %div3A_437 = arith.constant 1.000000e+00 : f32
    %div3A_438 = vector.broadcast %div3A_437 : f32 to vector<16xf32>
    %div3A_439 = arith.divf %div3A_438, %add3A_436 : vector<16xf32>
    %add3A_440 = arith.addf %gather3A_364, %gather3A_388 : vector<16xf32>
    %mul3A_441 = arith.constant 5.000000e-01 : f32
    %mul3A_442 = vector.broadcast %mul3A_441 : f32 to vector<16xf32>
    %mul3A_443 = arith.mulf %mul3A_442, %add3A_440 : vector<16xf32>
    %neg3A_444 = arith.constant 0.000000e+00 : f32
    %neg3A_445 = vector.broadcast %neg3A_444 : f32 to vector<16xf32>
    %neg3A_446 = arith.subf %neg3A_445, %mul3A_443 : vector<16xf32>
    %exp3A_447 = math.exp %neg3A_446 : vector<16xf32>
    %add3A_448 = arith.constant 1.000000e+00 : f32
    %add3A_449 = vector.broadcast %add3A_448 : f32 to vector<16xf32>
    %add3A_450 = arith.addf %add3A_449, %exp3A_447 : vector<16xf32>
    %div3A_451 = arith.constant 1.000000e+00 : f32
    %div3A_452 = vector.broadcast %div3A_451 : f32 to vector<16xf32>
    %div3A_453 = arith.divf %div3A_452, %add3A_450 : vector<16xf32>
    %add3A_454 = arith.addf %gather3A_368, %gather3A_404 : vector<16xf32>
    %mul3A_455 = arith.constant 5.000000e-01 : f32
    %mul3A_456 = vector.broadcast %mul3A_455 : f32 to vector<16xf32>
    %mul3A_457 = arith.mulf %mul3A_456, %add3A_454 : vector<16xf32>
    %neg3A_458 = arith.constant 0.000000e+00 : f32
    %neg3A_459 = vector.broadcast %neg3A_458 : f32 to vector<16xf32>
    %neg3A_460 = arith.subf %neg3A_459, %mul3A_457 : vector<16xf32>
    %exp3A_461 = math.exp %neg3A_460 : vector<16xf32>
    %add3A_462 = arith.constant 1.000000e+00 : f32
    %add3A_463 = vector.broadcast %add3A_462 : f32 to vector<16xf32>
    %add3A_464 = arith.addf %add3A_463, %exp3A_461 : vector<16xf32>
    %div3A_465 = arith.constant 1.000000e+00 : f32
    %div3A_466 = vector.broadcast %div3A_465 : f32 to vector<16xf32>
    %div3A_467 = arith.divf %div3A_466, %add3A_464 : vector<16xf32>
    %add3A_468 = arith.addf %gather3A_380, %gather3A_392 : vector<16xf32>
    %mul3A_469 = arith.constant 5.000000e-01 : f32
    %mul3A_470 = vector.broadcast %mul3A_469 : f32 to vector<16xf32>
    %mul3A_471 = arith.mulf %mul3A_470, %add3A_468 : vector<16xf32>
    %neg3A_472 = arith.constant 0.000000e+00 : f32
    %neg3A_473 = vector.broadcast %neg3A_472 : f32 to vector<16xf32>
    %neg3A_474 = arith.subf %neg3A_473, %mul3A_471 : vector<16xf32>
    %exp3A_475 = math.exp %neg3A_474 : vector<16xf32>
    %add3A_476 = arith.constant 1.000000e+00 : f32
    %add3A_477 = vector.broadcast %add3A_476 : f32 to vector<16xf32>
    %add3A_478 = arith.addf %add3A_477, %exp3A_475 : vector<16xf32>
    %div3A_479 = arith.constant 1.000000e+00 : f32
    %div3A_480 = vector.broadcast %div3A_479 : f32 to vector<16xf32>
    %div3A_481 = arith.divf %div3A_480, %add3A_478 : vector<16xf32>
    %add3A_482 = arith.addf %gather3A_384, %gather3A_408 : vector<16xf32>
    %mul3A_483 = arith.constant 5.000000e-01 : f32
    %mul3A_484 = vector.broadcast %mul3A_483 : f32 to vector<16xf32>
    %mul3A_485 = arith.mulf %mul3A_484, %add3A_482 : vector<16xf32>
    %neg3A_486 = arith.constant 0.000000e+00 : f32
    %neg3A_487 = vector.broadcast %neg3A_486 : f32 to vector<16xf32>
    %neg3A_488 = arith.subf %neg3A_487, %mul3A_485 : vector<16xf32>
    %exp3A_489 = math.exp %neg3A_488 : vector<16xf32>
    %add3A_490 = arith.constant 1.000000e+00 : f32
    %add3A_491 = vector.broadcast %add3A_490 : f32 to vector<16xf32>
    %add3A_492 = arith.addf %add3A_491, %exp3A_489 : vector<16xf32>
    %div3A_493 = arith.constant 1.000000e+00 : f32
    %div3A_494 = vector.broadcast %div3A_493 : f32 to vector<16xf32>
    %div3A_495 = arith.divf %div3A_494, %add3A_492 : vector<16xf32>
    %add3A_496 = arith.addf %gather3A_400, %gather3A_412 : vector<16xf32>
    %mul3A_497 = arith.constant 5.000000e-01 : f32
    %mul3A_498 = vector.broadcast %mul3A_497 : f32 to vector<16xf32>
    %mul3A_499 = arith.mulf %mul3A_498, %add3A_496 : vector<16xf32>
    %neg3A_500 = arith.constant 0.000000e+00 : f32
    %neg3A_501 = vector.broadcast %neg3A_500 : f32 to vector<16xf32>
    %neg3A_502 = arith.subf %neg3A_501, %mul3A_499 : vector<16xf32>
    %exp3A_503 = math.exp %neg3A_502 : vector<16xf32>
    %add3A_504 = arith.constant 1.000000e+00 : f32
    %add3A_505 = vector.broadcast %add3A_504 : f32 to vector<16xf32>
    %add3A_506 = arith.addf %add3A_505, %exp3A_503 : vector<16xf32>
    %div3A_507 = arith.constant 1.000000e+00 : f32
    %div3A_508 = vector.broadcast %div3A_507 : f32 to vector<16xf32>
    %div3A_509 = arith.divf %div3A_508, %add3A_506 : vector<16xf32>
    %add3A_510 = arith.constant 1 : i32
    %add3A_511 = vector.broadcast %add3A_510 : i32 to vector<16xi32>
    %add3A_512 = arith.addi %add3A_352, %add3A_511 : vector<16xi32>
    %mul3A_513 = arith.mulf %mul3A_425, %div3A_439 : vector<16xf32>
    tpu.vector_store_idx %arg12[%add3A_512], %mul3A_513 : memref<1024xf32, #tpu.memory_space<vmem>>[vector<16xi32>], vector<16xf32>,
    %add3A_514 = arith.constant 2 : i32
    %add3A_515 = vector.broadcast %add3A_514 : i32 to vector<16xi32>
    %add3A_516 = arith.addi %add3A_352, %add3A_515 : vector<16xi32>
    %mul3A_517 = arith.mulf %mul3A_425, %div3A_453 : vector<16xf32>
    tpu.vector_store_idx %arg12[%add3A_516], %mul3A_517 : memref<1024xf32, #tpu.memory_space<vmem>>[vector<16xi32>], vector<16xf32>,
    %add3A_518 = arith.constant 3 : i32
    %add3A_519 = vector.broadcast %add3A_518 : i32 to vector<16xi32>
    %add3A_520 = arith.addi %add3A_352, %add3A_519 : vector<16xi32>
    %mul3A_521 = arith.mulf %mul3A_425, %div3A_467 : vector<16xf32>
    tpu.vector_store_idx %arg12[%add3A_520], %mul3A_521 : memref<1024xf32, #tpu.memory_space<vmem>>[vector<16xi32>], vector<16xf32>,
    %add3A_522 = arith.constant 6 : i32
    %add3A_523 = vector.broadcast %add3A_522 : i32 to vector<16xi32>
    %add3A_524 = arith.addi %add3A_352, %add3A_523 : vector<16xi32>
    %mul3A_525 = arith.mulf %mul3A_425, %div3A_481 : vector<16xf32>
    tpu.vector_store_idx %arg12[%add3A_524], %mul3A_525 : memref<1024xf32, #tpu.memory_space<vmem>>[vector<16xi32>], vector<16xf32>,
    %add3A_526 = arith.constant 7 : i32
    %add3A_527 = vector.broadcast %add3A_526 : i32 to vector<16xi32>
    %add3A_528 = arith.addi %add3A_352, %add3A_527 : vector<16xi32>
    %mul3A_529 = arith.mulf %mul3A_425, %div3A_495 : vector<16xf32>
    tpu.vector_store_idx %arg12[%add3A_528], %mul3A_529 : memref<1024xf32, #tpu.memory_space<vmem>>[vector<16xi32>], vector<16xf32>,
    %add3A_530 = arith.constant 11 : i32
    %add3A_531 = vector.broadcast %add3A_530 : i32 to vector<16xi32>
    %add3A_532 = arith.addi %add3A_352, %add3A_531 : vector<16xi32>
    %mul3A_533 = arith.mulf %mul3A_425, %div3A_509 : vector<16xf32>
    tpu.vector_store_idx %arg12[%add3A_532], %mul3A_533 : memref<1024xf32, #tpu.memory_space<vmem>>[vector<16xi32>], vector<16xf32>,
    %add3A_534 = arith.addf %div3A_439, %div3A_453 : vector<16xf32>
    %add3A_535 = arith.addf %add3A_534, %div3A_467 : vector<16xf32>
    %mul3A_536 = arith.constant 4 : i32
    %mul3A_537 = vector.broadcast %mul3A_536 : i32 to vector<16xi32>
    %mul3A_538 = arith.muli %mul3A_537, %iota3A : vector<16xi32>
    %add3A_539 = arith.constant 64 : i32
    %add3A_540 = vector.broadcast %add3A_539 : i32 to vector<16xi32>
    %add3A_541 = arith.addi %add3A_540, %mul3A_538 : vector<16xi32>
    %add3A_542 = arith.constant 0 : i32
    %add3A_543 = vector.broadcast %add3A_542 : i32 to vector<16xi32>
    %add3A_544 = arith.addi %add3A_541, %add3A_543 : vector<16xi32>
    %gather3A_545 = tpu.vector_load_idx %arg14[%add3A_544] : memref<256xf32, #tpu.memory_space<vmem>>[vector<16xi32>], vector<16xf32>,
    %neg3A_546 = arith.constant 0.000000e+00 : f32
    %neg3A_547 = vector.broadcast %neg3A_546 : f32 to vector<16xf32>
    %neg3A_548 = arith.subf %neg3A_547, %gather3A_545 : vector<16xf32>
    %exp3A_549 = math.exp %neg3A_548 : vector<16xf32>
    %add3A_550 = arith.constant 1.000000e+00 : f32
    %add3A_551 = vector.broadcast %add3A_550 : f32 to vector<16xf32>
    %add3A_552 = arith.addf %add3A_551, %exp3A_549 : vector<16xf32>
    %div3A_553 = arith.constant 1.000000e+00 : f32
    %div3A_554 = vector.broadcast %div3A_553 : f32 to vector<16xf32>
    %div3A_555 = arith.divf %div3A_554, %add3A_552 : vector<16xf32>
    %mul3A_556 = arith.constant 1.400000e+00 : f32
    %mul3A_557 = vector.broadcast %mul3A_556 : f32 to vector<16xf32>
    %mul3A_558 = arith.mulf %mul3A_557, %div3A_555 : vector<16xf32>
    %add3A_559 = arith.constant 1.000000e-01 : f32
    %add3A_560 = vector.broadcast %add3A_559 : f32 to vector<16xf32>
    %add3A_561 = arith.addf %add3A_560, %mul3A_558 : vector<16xf32>
    %add3A_562 = arith.constant 0 : i32
    %add3A_563 = vector.broadcast %add3A_562 : i32 to vector<16xi32>
    %add3A_564 = arith.addi %add3A_352, %add3A_563 : vector<16xi32>
    %mul3A_565 = arith.mulf %gather3A_420, %add3A_535 : vector<16xf32>
    %add3A_566 = arith.addf %add3A_561, %mul3A_565 : vector<16xf32>
    %mul3A_567 = arith.mulf %get3A_15, %add3A_566 : vector<16xf32>
    %add3A_568 = arith.constant 1.000000e+00 : f32
    %add3A_569 = vector.broadcast %add3A_568 : f32 to vector<16xf32>
    %add3A_570 = arith.addf %add3A_569, %mul3A_567 : vector<16xf32>
    tpu.vector_store_idx %arg12[%add3A_564], %add3A_570 : memref<1024xf32, #tpu.memory_space<vmem>>[vector<16xi32>], vector<16xf32>,
    %add3A_571 = arith.addf %div3A_439, %div3A_481 : vector<16xf32>
    %add3A_572 = arith.addf %add3A_571, %div3A_495 : vector<16xf32>
    %mul3A_573 = arith.constant 4 : i32
    %mul3A_574 = vector.broadcast %mul3A_573 : i32 to vector<16xi32>
    %mul3A_575 = arith.muli %mul3A_574, %iota3A : vector<16xi32>
    %add3A_576 = arith.constant 64 : i32
    %add3A_577 = vector.broadcast %add3A_576 : i32 to vector<16xi32>
    %add3A_578 = arith.addi %add3A_577, %mul3A_575 : vector<16xi32>
    %add3A_579 = arith.constant 1 : i32
    %add3A_580 = vector.broadcast %add3A_579 : i32 to vector<16xi32>
    %add3A_581 = arith.addi %add3A_578, %add3A_580 : vector<16xi32>
    %gather3A_582 = tpu.vector_load_idx %arg14[%add3A_581] : memref<256xf32, #tpu.memory_space<vmem>>[vector<16xi32>], vector<16xf32>,
    %neg3A_583 = arith.constant 0.000000e+00 : f32
    %neg3A_584 = vector.broadcast %neg3A_583 : f32 to vector<16xf32>
    %neg3A_585 = arith.subf %neg3A_584, %gather3A_582 : vector<16xf32>
    %exp3A_586 = math.exp %neg3A_585 : vector<16xf32>
    %add3A_587 = arith.constant 1.000000e+00 : f32
    %add3A_588 = vector.broadcast %add3A_587 : f32 to vector<16xf32>
    %add3A_589 = arith.addf %add3A_588, %exp3A_586 : vector<16xf32>
    %div3A_590 = arith.constant 1.000000e+00 : f32
    %div3A_591 = vector.broadcast %div3A_590 : f32 to vector<16xf32>
    %div3A_592 = arith.divf %div3A_591, %add3A_589 : vector<16xf32>
    %mul3A_593 = arith.constant 1.400000e+00 : f32
    %mul3A_594 = vector.broadcast %mul3A_593 : f32 to vector<16xf32>
    %mul3A_595 = arith.mulf %mul3A_594, %div3A_592 : vector<16xf32>
    %add3A_596 = arith.constant 1.000000e-01 : f32
    %add3A_597 = vector.broadcast %add3A_596 : f32 to vector<16xf32>
    %add3A_598 = arith.addf %add3A_597, %mul3A_595 : vector<16xf32>
    %add3A_599 = arith.constant 5 : i32
    %add3A_600 = vector.broadcast %add3A_599 : i32 to vector<16xi32>
    %add3A_601 = arith.addi %add3A_352, %add3A_600 : vector<16xi32>
    %mul3A_602 = arith.mulf %gather3A_420, %add3A_572 : vector<16xf32>
    %add3A_603 = arith.addf %add3A_598, %mul3A_602 : vector<16xf32>
    %mul3A_604 = arith.mulf %get3A_15, %add3A_603 : vector<16xf32>
    %add3A_605 = arith.constant 1.000000e+00 : f32
    %add3A_606 = vector.broadcast %add3A_605 : f32 to vector<16xf32>
    %add3A_607 = arith.addf %add3A_606, %mul3A_604 : vector<16xf32>
    tpu.vector_store_idx %arg12[%add3A_601], %add3A_607 : memref<1024xf32, #tpu.memory_space<vmem>>[vector<16xi32>], vector<16xf32>,
    %add3A_608 = arith.addf %div3A_453, %div3A_481 : vector<16xf32>
    %add3A_609 = arith.addf %add3A_608, %div3A_509 : vector<16xf32>
    %mul3A_610 = arith.constant 4 : i32
    %mul3A_611 = vector.broadcast %mul3A_610 : i32 to vector<16xi32>
    %mul3A_612 = arith.muli %mul3A_611, %iota3A : vector<16xi32>
    %add3A_613 = arith.constant 64 : i32
    %add3A_614 = vector.broadcast %add3A_613 : i32 to vector<16xi32>
    %add3A_615 = arith.addi %add3A_614, %mul3A_612 : vector<16xi32>
    %add3A_616 = arith.constant 2 : i32
    %add3A_617 = vector.broadcast %add3A_616 : i32 to vector<16xi32>
    %add3A_618 = arith.addi %add3A_615, %add3A_617 : vector<16xi32>
    %gather3A_619 = tpu.vector_load_idx %arg14[%add3A_618] : memref<256xf32, #tpu.memory_space<vmem>>[vector<16xi32>], vector<16xf32>,
    %neg3A_620 = arith.constant 0.000000e+00 : f32
    %neg3A_621 = vector.broadcast %neg3A_620 : f32 to vector<16xf32>
    %neg3A_622 = arith.subf %neg3A_621, %gather3A_619 : vector<16xf32>
    %exp3A_623 = math.exp %neg3A_622 : vector<16xf32>
    %add3A_624 = arith.constant 1.000000e+00 : f32
    %add3A_625 = vector.broadcast %add3A_624 : f32 to vector<16xf32>
    %add3A_626 = arith.addf %add3A_625, %exp3A_623 : vector<16xf32>
    %div3A_627 = arith.constant 1.000000e+00 : f32
    %div3A_628 = vector.broadcast %div3A_627 : f32 to vector<16xf32>
    %div3A_629 = arith.divf %div3A_628, %add3A_626 : vector<16xf32>
    %mul3A_630 = arith.constant 1.400000e+00 : f32
    %mul3A_631 = vector.broadcast %mul3A_630 : f32 to vector<16xf32>
    %mul3A_632 = arith.mulf %mul3A_631, %div3A_629 : vector<16xf32>
    %add3A_633 = arith.constant 1.000000e-01 : f32
    %add3A_634 = vector.broadcast %add3A_633 : f32 to vector<16xf32>
    %add3A_635 = arith.addf %add3A_634, %mul3A_632 : vector<16xf32>
    %add3A_636 = arith.constant 10 : i32
    %add3A_637 = vector.broadcast %add3A_636 : i32 to vector<16xi32>
    %add3A_638 = arith.addi %add3A_352, %add3A_637 : vector<16xi32>
    %mul3A_639 = arith.mulf %gather3A_420, %add3A_609 : vector<16xf32>
    %add3A_640 = arith.addf %add3A_635, %mul3A_639 : vector<16xf32>
    %mul3A_641 = arith.mulf %get3A_15, %add3A_640 : vector<16xf32>
    %add3A_642 = arith.constant 1.000000e+00 : f32
    %add3A_643 = vector.broadcast %add3A_642 : f32 to vector<16xf32>
    %add3A_644 = arith.addf %add3A_643, %mul3A_641 : vector<16xf32>
    tpu.vector_store_idx %arg12[%add3A_638], %add3A_644 : memref<1024xf32, #tpu.memory_space<vmem>>[vector<16xi32>], vector<16xf32>,
    %add3A_645 = arith.addf %div3A_467, %div3A_495 : vector<16xf32>
    %add3A_646 = arith.addf %add3A_645, %div3A_509 : vector<16xf32>
    %mul3A_647 = arith.constant 4 : i32
    %mul3A_648 = vector.broadcast %mul3A_647 : i32 to vector<16xi32>
    %mul3A_649 = arith.muli %mul3A_648, %iota3A : vector<16xi32>
    %add3A_650 = arith.constant 64 : i32
    %add3A_651 = vector.broadcast %add3A_650 : i32 to vector<16xi32>
    %add3A_652 = arith.addi %add3A_651, %mul3A_649 : vector<16xi32>
    %add3A_653 = arith.constant 3 : i32
    %add3A_654 = vector.broadcast %add3A_653 : i32 to vector<16xi32>
    %add3A_655 = arith.addi %add3A_652, %add3A_654 : vector<16xi32>
    %gather3A_656 = tpu.vector_load_idx %arg14[%add3A_655] : memref<256xf32, #tpu.memory_space<vmem>>[vector<16xi32>], vector<16xf32>,
    %neg3A_657 = arith.constant 0.000000e+00 : f32
    %neg3A_658 = vector.broadcast %neg3A_657 : f32 to vector<16xf32>
    %neg3A_659 = arith.subf %neg3A_658, %gather3A_656 : vector<16xf32>
    %exp3A_660 = math.exp %neg3A_659 : vector<16xf32>
    %add3A_661 = arith.constant 1.000000e+00 : f32
    %add3A_662 = vector.broadcast %add3A_661 : f32 to vector<16xf32>
    %add3A_663 = arith.addf %add3A_662, %exp3A_660 : vector<16xf32>
    %div3A_664 = arith.constant 1.000000e+00 : f32
    %div3A_665 = vector.broadcast %div3A_664 : f32 to vector<16xf32>
    %div3A_666 = arith.divf %div3A_665, %add3A_663 : vector<16xf32>
    %mul3A_667 = arith.constant 1.400000e+00 : f32
    %mul3A_668 = vector.broadcast %mul3A_667 : f32 to vector<16xf32>
    %mul3A_669 = arith.mulf %mul3A_668, %div3A_666 : vector<16xf32>
    %add3A_670 = arith.constant 1.000000e-01 : f32
    %add3A_671 = vector.broadcast %add3A_670 : f32 to vector<16xf32>
    %add3A_672 = arith.addf %add3A_671, %mul3A_669 : vector<16xf32>
    %add3A_673 = arith.constant 15 : i32
    %add3A_674 = vector.broadcast %add3A_673 : i32 to vector<16xi32>
    %add3A_675 = arith.addi %add3A_352, %add3A_674 : vector<16xi32>
    %mul3A_676 = arith.mulf %gather3A_420, %add3A_646 : vector<16xf32>
    %add3A_677 = arith.addf %add3A_672, %mul3A_676 : vector<16xf32>
    %mul3A_678 = arith.mulf %get3A_15, %add3A_677 : vector<16xf32>
    %add3A_679 = arith.constant 1.000000e+00 : f32
    %add3A_680 = vector.broadcast %add3A_679 : f32 to vector<16xf32>
    %add3A_681 = arith.addf %add3A_680, %mul3A_678 : vector<16xf32>
    tpu.vector_store_idx %arg12[%add3A_675], %add3A_681 : memref<1024xf32, #tpu.memory_space<vmem>>[vector<16xi32>], vector<16xf32>,
    %mul3A_682 = arith.constant 16 : i32
    %mul3A_683 = vector.broadcast %mul3A_682 : i32 to vector<16xi32>
    %mul3A_684 = arith.muli %mul3A_683, %iota3A : vector<16xi32>
    %add3A_685 = arith.constant 512 : i32
    %add3A_686 = vector.broadcast %add3A_685 : i32 to vector<16xi32>
    %add3A_687 = arith.addi %add3A_686, %mul3A_684 : vector<16xi32>
    %add3A_688 = arith.constant 0 : i32
    %add3A_689 = vector.broadcast %add3A_688 : i32 to vector<16xi32>
    %add3A_690 = arith.addi %add3A_687, %add3A_689 : vector<16xi32>
    %gather3A_691 = tpu.vector_load_idx %arg13[%add3A_690] : memref<1024xf32, #tpu.memory_space<vmem>>[vector<16xi32>], vector<16xf32>,
    %add3A_692 = arith.constant 1 : i32
    %add3A_693 = vector.broadcast %add3A_692 : i32 to vector<16xi32>
    %add3A_694 = arith.addi %add3A_687, %add3A_693 : vector<16xi32>
    %gather3A_695 = tpu.vector_load_idx %arg13[%add3A_694] : memref<1024xf32, #tpu.memory_space<vmem>>[vector<16xi32>], vector<16xf32>,
    %add3A_696 = arith.constant 2 : i32
    %add3A_697 = vector.broadcast %add3A_696 : i32 to vector<16xi32>
    %add3A_698 = arith.addi %add3A_687, %add3A_697 : vector<16xi32>
    %gather3A_699 = tpu.vector_load_idx %arg13[%add3A_698] : memref<1024xf32, #tpu.memory_space<vmem>>[vector<16xi32>], vector<16xf32>,
    %add3A_700 = arith.constant 3 : i32
    %add3A_701 = vector.broadcast %add3A_700 : i32 to vector<16xi32>
    %add3A_702 = arith.addi %add3A_687, %add3A_701 : vector<16xi32>
    %gather3A_703 = tpu.vector_load_idx %arg13[%add3A_702] : memref<1024xf32, #tpu.memory_space<vmem>>[vector<16xi32>], vector<16xf32>,
    %add3A_704 = arith.constant 4 : i32
    %add3A_705 = vector.broadcast %add3A_704 : i32 to vector<16xi32>
    %add3A_706 = arith.addi %add3A_687, %add3A_705 : vector<16xi32>
    %gather3A_707 = tpu.vector_load_idx %arg13[%add3A_706] : memref<1024xf32, #tpu.memory_space<vmem>>[vector<16xi32>], vector<16xf32>,
    %add3A_708 = arith.constant 5 : i32
    %add3A_709 = vector.broadcast %add3A_708 : i32 to vector<16xi32>
    %add3A_710 = arith.addi %add3A_687, %add3A_709 : vector<16xi32>
    %gather3A_711 = tpu.vector_load_idx %arg13[%add3A_710] : memref<1024xf32, #tpu.memory_space<vmem>>[vector<16xi32>], vector<16xf32>,
    %add3A_712 = arith.constant 6 : i32
    %add3A_713 = vector.broadcast %add3A_712 : i32 to vector<16xi32>
    %add3A_714 = arith.addi %add3A_687, %add3A_713 : vector<16xi32>
    %gather3A_715 = tpu.vector_load_idx %arg13[%add3A_714] : memref<1024xf32, #tpu.memory_space<vmem>>[vector<16xi32>], vector<16xf32>,
    %add3A_716 = arith.constant 7 : i32
    %add3A_717 = vector.broadcast %add3A_716 : i32 to vector<16xi32>
    %add3A_718 = arith.addi %add3A_687, %add3A_717 : vector<16xi32>
    %gather3A_719 = tpu.vector_load_idx %arg13[%add3A_718] : memref<1024xf32, #tpu.memory_space<vmem>>[vector<16xi32>], vector<16xf32>,
    %add3A_720 = arith.constant 8 : i32
    %add3A_721 = vector.broadcast %add3A_720 : i32 to vector<16xi32>
    %add3A_722 = arith.addi %add3A_687, %add3A_721 : vector<16xi32>
    %gather3A_723 = tpu.vector_load_idx %arg13[%add3A_722] : memref<1024xf32, #tpu.memory_space<vmem>>[vector<16xi32>], vector<16xf32>,
    %add3A_724 = arith.constant 9 : i32
    %add3A_725 = vector.broadcast %add3A_724 : i32 to vector<16xi32>
    %add3A_726 = arith.addi %add3A_687, %add3A_725 : vector<16xi32>
    %gather3A_727 = tpu.vector_load_idx %arg13[%add3A_726] : memref<1024xf32, #tpu.memory_space<vmem>>[vector<16xi32>], vector<16xf32>,
    %add3A_728 = arith.constant 10 : i32
    %add3A_729 = vector.broadcast %add3A_728 : i32 to vector<16xi32>
    %add3A_730 = arith.addi %add3A_687, %add3A_729 : vector<16xi32>
    %gather3A_731 = tpu.vector_load_idx %arg13[%add3A_730] : memref<1024xf32, #tpu.memory_space<vmem>>[vector<16xi32>], vector<16xf32>,
    %add3A_732 = arith.constant 11 : i32
    %add3A_733 = vector.broadcast %add3A_732 : i32 to vector<16xi32>
    %add3A_734 = arith.addi %add3A_687, %add3A_733 : vector<16xi32>
    %gather3A_735 = tpu.vector_load_idx %arg13[%add3A_734] : memref<1024xf32, #tpu.memory_space<vmem>>[vector<16xi32>], vector<16xf32>,
    %add3A_736 = arith.constant 12 : i32
    %add3A_737 = vector.broadcast %add3A_736 : i32 to vector<16xi32>
    %add3A_738 = arith.addi %add3A_687, %add3A_737 : vector<16xi32>
    %gather3A_739 = tpu.vector_load_idx %arg13[%add3A_738] : memref<1024xf32, #tpu.memory_space<vmem>>[vector<16xi32>], vector<16xf32>,
    %add3A_740 = arith.constant 13 : i32
    %add3A_741 = vector.broadcast %add3A_740 : i32 to vector<16xi32>
    %add3A_742 = arith.addi %add3A_687, %add3A_741 : vector<16xi32>
    %gather3A_743 = tpu.vector_load_idx %arg13[%add3A_742] : memref<1024xf32, #tpu.memory_space<vmem>>[vector<16xi32>], vector<16xf32>,
    %add3A_744 = arith.constant 14 : i32
    %add3A_745 = vector.broadcast %add3A_744 : i32 to vector<16xi32>
    %add3A_746 = arith.addi %add3A_687, %add3A_745 : vector<16xi32>
    %gather3A_747 = tpu.vector_load_idx %arg13[%add3A_746] : memref<1024xf32, #tpu.memory_space<vmem>>[vector<16xi32>], vector<16xf32>,
    %add3A_748 = arith.constant 15 : i32
    %add3A_749 = vector.broadcast %add3A_748 : i32 to vector<16xi32>
    %add3A_750 = arith.addi %add3A_687, %add3A_749 : vector<16xi32>
    %gather3A_751 = tpu.vector_load_idx %arg13[%add3A_750] : memref<1024xf32, #tpu.memory_space<vmem>>[vector<16xi32>], vector<16xf32>,
    %add3A_752 = arith.constant 32 : i32
    %add3A_753 = vector.broadcast %add3A_752 : i32 to vector<16xi32>
    %add3A_754 = arith.addi %add3A_753, %iota3A : vector<16xi32>
    %gather3A_755 = tpu.vector_load_idx %arg15[%add3A_754] : memref<64xf32, #tpu.memory_space<vmem>>[vector<16xi32>], vector<16xf32>,
    %add3A_756 = arith.constant 32 : i32
    %add3A_757 = vector.broadcast %add3A_756 : i32 to vector<16xi32>
    %add3A_758 = arith.addi %add3A_757, %iota3A : vector<16xi32>
    %gather3A_759 = tpu.vector_load_idx %arg16[%add3A_758] : memref<64xf32, #tpu.memory_space<vmem>>[vector<16xi32>], vector<16xf32>,
    %mul3A_760 = arith.mulf %get3A_15, %gather3A_759 : vector<16xf32>
    %add3A_761 = arith.addf %gather3A_695, %gather3A_707 : vector<16xf32>
    %mul3A_762 = arith.constant 5.000000e-01 : f32
    %mul3A_763 = vector.broadcast %mul3A_762 : f32 to vector<16xf32>
    %mul3A_764 = arith.mulf %mul3A_763, %add3A_761 : vector<16xf32>
    %neg3A_765 = arith.constant 0.000000e+00 : f32
    %neg3A_766 = vector.broadcast %neg3A_765 : f32 to vector<16xf32>
    %neg3A_767 = arith.subf %neg3A_766, %mul3A_764 : vector<16xf32>
    %exp3A_768 = math.exp %neg3A_767 : vector<16xf32>
    %add3A_769 = arith.constant 1.000000e+00 : f32
    %add3A_770 = vector.broadcast %add3A_769 : f32 to vector<16xf32>
    %add3A_771 = arith.addf %add3A_770, %exp3A_768 : vector<16xf32>
    %div3A_772 = arith.constant 1.000000e+00 : f32
    %div3A_773 = vector.broadcast %div3A_772 : f32 to vector<16xf32>
    %div3A_774 = arith.divf %div3A_773, %add3A_771 : vector<16xf32>
    %add3A_775 = arith.addf %gather3A_699, %gather3A_723 : vector<16xf32>
    %mul3A_776 = arith.constant 5.000000e-01 : f32
    %mul3A_777 = vector.broadcast %mul3A_776 : f32 to vector<16xf32>
    %mul3A_778 = arith.mulf %mul3A_777, %add3A_775 : vector<16xf32>
    %neg3A_779 = arith.constant 0.000000e+00 : f32
    %neg3A_780 = vector.broadcast %neg3A_779 : f32 to vector<16xf32>
    %neg3A_781 = arith.subf %neg3A_780, %mul3A_778 : vector<16xf32>
    %exp3A_782 = math.exp %neg3A_781 : vector<16xf32>
    %add3A_783 = arith.constant 1.000000e+00 : f32
    %add3A_784 = vector.broadcast %add3A_783 : f32 to vector<16xf32>
    %add3A_785 = arith.addf %add3A_784, %exp3A_782 : vector<16xf32>
    %div3A_786 = arith.constant 1.000000e+00 : f32
    %div3A_787 = vector.broadcast %div3A_786 : f32 to vector<16xf32>
    %div3A_788 = arith.divf %div3A_787, %add3A_785 : vector<16xf32>
    %add3A_789 = arith.addf %gather3A_703, %gather3A_739 : vector<16xf32>
    %mul3A_790 = arith.constant 5.000000e-01 : f32
    %mul3A_791 = vector.broadcast %mul3A_790 : f32 to vector<16xf32>
    %mul3A_792 = arith.mulf %mul3A_791, %add3A_789 : vector<16xf32>
    %neg3A_793 = arith.constant 0.000000e+00 : f32
    %neg3A_794 = vector.broadcast %neg3A_793 : f32 to vector<16xf32>
    %neg3A_795 = arith.subf %neg3A_794, %mul3A_792 : vector<16xf32>
    %exp3A_796 = math.exp %neg3A_795 : vector<16xf32>
    %add3A_797 = arith.constant 1.000000e+00 : f32
    %add3A_798 = vector.broadcast %add3A_797 : f32 to vector<16xf32>
    %add3A_799 = arith.addf %add3A_798, %exp3A_796 : vector<16xf32>
    %div3A_800 = arith.constant 1.000000e+00 : f32
    %div3A_801 = vector.broadcast %div3A_800 : f32 to vector<16xf32>
    %div3A_802 = arith.divf %div3A_801, %add3A_799 : vector<16xf32>
    %add3A_803 = arith.addf %gather3A_715, %gather3A_727 : vector<16xf32>
    %mul3A_804 = arith.constant 5.000000e-01 : f32
    %mul3A_805 = vector.broadcast %mul3A_804 : f32 to vector<16xf32>
    %mul3A_806 = arith.mulf %mul3A_805, %add3A_803 : vector<16xf32>
    %neg3A_807 = arith.constant 0.000000e+00 : f32
    %neg3A_808 = vector.broadcast %neg3A_807 : f32 to vector<16xf32>
    %neg3A_809 = arith.subf %neg3A_808, %mul3A_806 : vector<16xf32>
    %exp3A_810 = math.exp %neg3A_809 : vector<16xf32>
    %add3A_811 = arith.constant 1.000000e+00 : f32
    %add3A_812 = vector.broadcast %add3A_811 : f32 to vector<16xf32>
    %add3A_813 = arith.addf %add3A_812, %exp3A_810 : vector<16xf32>
    %div3A_814 = arith.constant 1.000000e+00 : f32
    %div3A_815 = vector.broadcast %div3A_814 : f32 to vector<16xf32>
    %div3A_816 = arith.divf %div3A_815, %add3A_813 : vector<16xf32>
    %add3A_817 = arith.addf %gather3A_719, %gather3A_743 : vector<16xf32>
    %mul3A_818 = arith.constant 5.000000e-01 : f32
    %mul3A_819 = vector.broadcast %mul3A_818 : f32 to vector<16xf32>
    %mul3A_820 = arith.mulf %mul3A_819, %add3A_817 : vector<16xf32>
    %neg3A_821 = arith.constant 0.000000e+00 : f32
    %neg3A_822 = vector.broadcast %neg3A_821 : f32 to vector<16xf32>
    %neg3A_823 = arith.subf %neg3A_822, %mul3A_820 : vector<16xf32>
    %exp3A_824 = math.exp %neg3A_823 : vector<16xf32>
    %add3A_825 = arith.constant 1.000000e+00 : f32
    %add3A_826 = vector.broadcast %add3A_825 : f32 to vector<16xf32>
    %add3A_827 = arith.addf %add3A_826, %exp3A_824 : vector<16xf32>
    %div3A_828 = arith.constant 1.000000e+00 : f32
    %div3A_829 = vector.broadcast %div3A_828 : f32 to vector<16xf32>
    %div3A_830 = arith.divf %div3A_829, %add3A_827 : vector<16xf32>
    %add3A_831 = arith.addf %gather3A_735, %gather3A_747 : vector<16xf32>
    %mul3A_832 = arith.constant 5.000000e-01 : f32
    %mul3A_833 = vector.broadcast %mul3A_832 : f32 to vector<16xf32>
    %mul3A_834 = arith.mulf %mul3A_833, %add3A_831 : vector<16xf32>
    %neg3A_835 = arith.constant 0.000000e+00 : f32
    %neg3A_836 = vector.broadcast %neg3A_835 : f32 to vector<16xf32>
    %neg3A_837 = arith.subf %neg3A_836, %mul3A_834 : vector<16xf32>
    %exp3A_838 = math.exp %neg3A_837 : vector<16xf32>
    %add3A_839 = arith.constant 1.000000e+00 : f32
    %add3A_840 = vector.broadcast %add3A_839 : f32 to vector<16xf32>
    %add3A_841 = arith.addf %add3A_840, %exp3A_838 : vector<16xf32>
    %div3A_842 = arith.constant 1.000000e+00 : f32
    %div3A_843 = vector.broadcast %div3A_842 : f32 to vector<16xf32>
    %div3A_844 = arith.divf %div3A_843, %add3A_841 : vector<16xf32>
    %add3A_845 = arith.constant 1 : i32
    %add3A_846 = vector.broadcast %add3A_845 : i32 to vector<16xi32>
    %add3A_847 = arith.addi %add3A_687, %add3A_846 : vector<16xi32>
    %mul3A_848 = arith.mulf %mul3A_760, %div3A_774 : vector<16xf32>
    tpu.vector_store_idx %arg12[%add3A_847], %mul3A_848 : memref<1024xf32, #tpu.memory_space<vmem>>[vector<16xi32>], vector<16xf32>,
    %add3A_849 = arith.constant 2 : i32
    %add3A_850 = vector.broadcast %add3A_849 : i32 to vector<16xi32>
    %add3A_851 = arith.addi %add3A_687, %add3A_850 : vector<16xi32>
    %mul3A_852 = arith.mulf %mul3A_760, %div3A_788 : vector<16xf32>
    tpu.vector_store_idx %arg12[%add3A_851], %mul3A_852 : memref<1024xf32, #tpu.memory_space<vmem>>[vector<16xi32>], vector<16xf32>,
    %add3A_853 = arith.constant 3 : i32
    %add3A_854 = vector.broadcast %add3A_853 : i32 to vector<16xi32>
    %add3A_855 = arith.addi %add3A_687, %add3A_854 : vector<16xi32>
    %mul3A_856 = arith.mulf %mul3A_760, %div3A_802 : vector<16xf32>
    tpu.vector_store_idx %arg12[%add3A_855], %mul3A_856 : memref<1024xf32, #tpu.memory_space<vmem>>[vector<16xi32>], vector<16xf32>,
    %add3A_857 = arith.constant 6 : i32
    %add3A_858 = vector.broadcast %add3A_857 : i32 to vector<16xi32>
    %add3A_859 = arith.addi %add3A_687, %add3A_858 : vector<16xi32>
    %mul3A_860 = arith.mulf %mul3A_760, %div3A_816 : vector<16xf32>
    tpu.vector_store_idx %arg12[%add3A_859], %mul3A_860 : memref<1024xf32, #tpu.memory_space<vmem>>[vector<16xi32>], vector<16xf32>,
    %add3A_861 = arith.constant 7 : i32
    %add3A_862 = vector.broadcast %add3A_861 : i32 to vector<16xi32>
    %add3A_863 = arith.addi %add3A_687, %add3A_862 : vector<16xi32>
    %mul3A_864 = arith.mulf %mul3A_760, %div3A_830 : vector<16xf32>
    tpu.vector_store_idx %arg12[%add3A_863], %mul3A_864 : memref<1024xf32, #tpu.memory_space<vmem>>[vector<16xi32>], vector<16xf32>,
    %add3A_865 = arith.constant 11 : i32
    %add3A_866 = vector.broadcast %add3A_865 : i32 to vector<16xi32>
    %add3A_867 = arith.addi %add3A_687, %add3A_866 : vector<16xi32>
    %mul3A_868 = arith.mulf %mul3A_760, %div3A_844 : vector<16xf32>
    tpu.vector_store_idx %arg12[%add3A_867], %mul3A_868 : memref<1024xf32, #tpu.memory_space<vmem>>[vector<16xi32>], vector<16xf32>,
    %add3A_869 = arith.addf %div3A_774, %div3A_788 : vector<16xf32>
    %add3A_870 = arith.addf %add3A_869, %div3A_802 : vector<16xf32>
    %mul3A_871 = arith.constant 4 : i32
    %mul3A_872 = vector.broadcast %mul3A_871 : i32 to vector<16xi32>
    %mul3A_873 = arith.muli %mul3A_872, %iota3A : vector<16xi32>
    %add3A_874 = arith.constant 128 : i32
    %add3A_875 = vector.broadcast %add3A_874 : i32 to vector<16xi32>
    %add3A_876 = arith.addi %add3A_875, %mul3A_873 : vector<16xi32>
    %add3A_877 = arith.constant 0 : i32
    %add3A_878 = vector.broadcast %add3A_877 : i32 to vector<16xi32>
    %add3A_879 = arith.addi %add3A_876, %add3A_878 : vector<16xi32>
    %gather3A_880 = tpu.vector_load_idx %arg14[%add3A_879] : memref<256xf32, #tpu.memory_space<vmem>>[vector<16xi32>], vector<16xf32>,
    %neg3A_881 = arith.constant 0.000000e+00 : f32
    %neg3A_882 = vector.broadcast %neg3A_881 : f32 to vector<16xf32>
    %neg3A_883 = arith.subf %neg3A_882, %gather3A_880 : vector<16xf32>
    %exp3A_884 = math.exp %neg3A_883 : vector<16xf32>
    %add3A_885 = arith.constant 1.000000e+00 : f32
    %add3A_886 = vector.broadcast %add3A_885 : f32 to vector<16xf32>
    %add3A_887 = arith.addf %add3A_886, %exp3A_884 : vector<16xf32>
    %div3A_888 = arith.constant 1.000000e+00 : f32
    %div3A_889 = vector.broadcast %div3A_888 : f32 to vector<16xf32>
    %div3A_890 = arith.divf %div3A_889, %add3A_887 : vector<16xf32>
    %mul3A_891 = arith.constant 1.400000e+00 : f32
    %mul3A_892 = vector.broadcast %mul3A_891 : f32 to vector<16xf32>
    %mul3A_893 = arith.mulf %mul3A_892, %div3A_890 : vector<16xf32>
    %add3A_894 = arith.constant 1.000000e-01 : f32
    %add3A_895 = vector.broadcast %add3A_894 : f32 to vector<16xf32>
    %add3A_896 = arith.addf %add3A_895, %mul3A_893 : vector<16xf32>
    %add3A_897 = arith.constant 0 : i32
    %add3A_898 = vector.broadcast %add3A_897 : i32 to vector<16xi32>
    %add3A_899 = arith.addi %add3A_687, %add3A_898 : vector<16xi32>
    %mul3A_900 = arith.mulf %gather3A_755, %add3A_870 : vector<16xf32>
    %add3A_901 = arith.addf %add3A_896, %mul3A_900 : vector<16xf32>
    %mul3A_902 = arith.mulf %get3A_15, %add3A_901 : vector<16xf32>
    %add3A_903 = arith.constant 1.000000e+00 : f32
    %add3A_904 = vector.broadcast %add3A_903 : f32 to vector<16xf32>
    %add3A_905 = arith.addf %add3A_904, %mul3A_902 : vector<16xf32>
    tpu.vector_store_idx %arg12[%add3A_899], %add3A_905 : memref<1024xf32, #tpu.memory_space<vmem>>[vector<16xi32>], vector<16xf32>,
    %add3A_906 = arith.addf %div3A_774, %div3A_816 : vector<16xf32>
    %add3A_907 = arith.addf %add3A_906, %div3A_830 : vector<16xf32>
    %mul3A_908 = arith.constant 4 : i32
    %mul3A_909 = vector.broadcast %mul3A_908 : i32 to vector<16xi32>
    %mul3A_910 = arith.muli %mul3A_909, %iota3A : vector<16xi32>
    %add3A_911 = arith.constant 128 : i32
    %add3A_912 = vector.broadcast %add3A_911 : i32 to vector<16xi32>
    %add3A_913 = arith.addi %add3A_912, %mul3A_910 : vector<16xi32>
    %add3A_914 = arith.constant 1 : i32
    %add3A_915 = vector.broadcast %add3A_914 : i32 to vector<16xi32>
    %add3A_916 = arith.addi %add3A_913, %add3A_915 : vector<16xi32>
    %gather3A_917 = tpu.vector_load_idx %arg14[%add3A_916] : memref<256xf32, #tpu.memory_space<vmem>>[vector<16xi32>], vector<16xf32>,
    %neg3A_918 = arith.constant 0.000000e+00 : f32
    %neg3A_919 = vector.broadcast %neg3A_918 : f32 to vector<16xf32>
    %neg3A_920 = arith.subf %neg3A_919, %gather3A_917 : vector<16xf32>
    %exp3A_921 = math.exp %neg3A_920 : vector<16xf32>
    %add3A_922 = arith.constant 1.000000e+00 : f32
    %add3A_923 = vector.broadcast %add3A_922 : f32 to vector<16xf32>
    %add3A_924 = arith.addf %add3A_923, %exp3A_921 : vector<16xf32>
    %div3A_925 = arith.constant 1.000000e+00 : f32
    %div3A_926 = vector.broadcast %div3A_925 : f32 to vector<16xf32>
    %div3A_927 = arith.divf %div3A_926, %add3A_924 : vector<16xf32>
    %mul3A_928 = arith.constant 1.400000e+00 : f32
    %mul3A_929 = vector.broadcast %mul3A_928 : f32 to vector<16xf32>
    %mul3A_930 = arith.mulf %mul3A_929, %div3A_927 : vector<16xf32>
    %add3A_931 = arith.constant 1.000000e-01 : f32
    %add3A_932 = vector.broadcast %add3A_931 : f32 to vector<16xf32>
    %add3A_933 = arith.addf %add3A_932, %mul3A_930 : vector<16xf32>
    %add3A_934 = arith.constant 5 : i32
    %add3A_935 = vector.broadcast %add3A_934 : i32 to vector<16xi32>
    %add3A_936 = arith.addi %add3A_687, %add3A_935 : vector<16xi32>
    %mul3A_937 = arith.mulf %gather3A_755, %add3A_907 : vector<16xf32>
    %add3A_938 = arith.addf %add3A_933, %mul3A_937 : vector<16xf32>
    %mul3A_939 = arith.mulf %get3A_15, %add3A_938 : vector<16xf32>
    %add3A_940 = arith.constant 1.000000e+00 : f32
    %add3A_941 = vector.broadcast %add3A_940 : f32 to vector<16xf32>
    %add3A_942 = arith.addf %add3A_941, %mul3A_939 : vector<16xf32>
    tpu.vector_store_idx %arg12[%add3A_936], %add3A_942 : memref<1024xf32, #tpu.memory_space<vmem>>[vector<16xi32>], vector<16xf32>,
    %add3A_943 = arith.addf %div3A_788, %div3A_816 : vector<16xf32>
    %add3A_944 = arith.addf %add3A_943, %div3A_844 : vector<16xf32>
    %mul3A_945 = arith.constant 4 : i32
    %mul3A_946 = vector.broadcast %mul3A_945 : i32 to vector<16xi32>
    %mul3A_947 = arith.muli %mul3A_946, %iota3A : vector<16xi32>
    %add3A_948 = arith.constant 128 : i32
    %add3A_949 = vector.broadcast %add3A_948 : i32 to vector<16xi32>
    %add3A_950 = arith.addi %add3A_949, %mul3A_947 : vector<16xi32>
    %add3A_951 = arith.constant 2 : i32
    %add3A_952 = vector.broadcast %add3A_951 : i32 to vector<16xi32>
    %add3A_953 = arith.addi %add3A_950, %add3A_952 : vector<16xi32>
    %gather3A_954 = tpu.vector_load_idx %arg14[%add3A_953] : memref<256xf32, #tpu.memory_space<vmem>>[vector<16xi32>], vector<16xf32>,
    %neg3A_955 = arith.constant 0.000000e+00 : f32
    %neg3A_956 = vector.broadcast %neg3A_955 : f32 to vector<16xf32>
    %neg3A_957 = arith.subf %neg3A_956, %gather3A_954 : vector<16xf32>
    %exp3A_958 = math.exp %neg3A_957 : vector<16xf32>
    %add3A_959 = arith.constant 1.000000e+00 : f32
    %add3A_960 = vector.broadcast %add3A_959 : f32 to vector<16xf32>
    %add3A_961 = arith.addf %add3A_960, %exp3A_958 : vector<16xf32>
    %div3A_962 = arith.constant 1.000000e+00 : f32
    %div3A_963 = vector.broadcast %div3A_962 : f32 to vector<16xf32>
    %div3A_964 = arith.divf %div3A_963, %add3A_961 : vector<16xf32>
    %mul3A_965 = arith.constant 1.400000e+00 : f32
    %mul3A_966 = vector.broadcast %mul3A_965 : f32 to vector<16xf32>
    %mul3A_967 = arith.mulf %mul3A_966, %div3A_964 : vector<16xf32>
    %add3A_968 = arith.constant 1.000000e-01 : f32
    %add3A_969 = vector.broadcast %add3A_968 : f32 to vector<16xf32>
    %add3A_970 = arith.addf %add3A_969, %mul3A_967 : vector<16xf32>
    %add3A_971 = arith.constant 10 : i32
    %add3A_972 = vector.broadcast %add3A_971 : i32 to vector<16xi32>
    %add3A_973 = arith.addi %add3A_687, %add3A_972 : vector<16xi32>
    %mul3A_974 = arith.mulf %gather3A_755, %add3A_944 : vector<16xf32>
    %add3A_975 = arith.addf %add3A_970, %mul3A_974 : vector<16xf32>
    %mul3A_976 = arith.mulf %get3A_15, %add3A_975 : vector<16xf32>
    %add3A_977 = arith.constant 1.000000e+00 : f32
    %add3A_978 = vector.broadcast %add3A_977 : f32 to vector<16xf32>
    %add3A_979 = arith.addf %add3A_978, %mul3A_976 : vector<16xf32>
    tpu.vector_store_idx %arg12[%add3A_973], %add3A_979 : memref<1024xf32, #tpu.memory_space<vmem>>[vector<16xi32>], vector<16xf32>,
    %add3A_980 = arith.addf %div3A_802, %div3A_830 : vector<16xf32>
    %add3A_981 = arith.addf %add3A_980, %div3A_844 : vector<16xf32>
    %mul3A_982 = arith.constant 4 : i32
    %mul3A_983 = vector.broadcast %mul3A_982 : i32 to vector<16xi32>
    %mul3A_984 = arith.muli %mul3A_983, %iota3A : vector<16xi32>
    %add3A_985 = arith.constant 128 : i32
    %add3A_986 = vector.broadcast %add3A_985 : i32 to vector<16xi32>
    %add3A_987 = arith.addi %add3A_986, %mul3A_984 : vector<16xi32>
    %add3A_988 = arith.constant 3 : i32
    %add3A_989 = vector.broadcast %add3A_988 : i32 to vector<16xi32>
    %add3A_990 = arith.addi %add3A_987, %add3A_989 : vector<16xi32>
    %gather3A_991 = tpu.vector_load_idx %arg14[%add3A_990] : memref<256xf32, #tpu.memory_space<vmem>>[vector<16xi32>], vector<16xf32>,
    %neg3A_992 = arith.constant 0.000000e+00 : f32
    %neg3A_993 = vector.broadcast %neg3A_992 : f32 to vector<16xf32>
    %neg3A_994 = arith.subf %neg3A_993, %gather3A_991 : vector<16xf32>
    %exp3A_995 = math.exp %neg3A_994 : vector<16xf32>
    %add3A_996 = arith.constant 1.000000e+00 : f32
    %add3A_997 = vector.broadcast %add3A_996 : f32 to vector<16xf32>
    %add3A_998 = arith.addf %add3A_997, %exp3A_995 : vector<16xf32>
    %div3A_999 = arith.constant 1.000000e+00 : f32
    %div3A_1000 = vector.broadcast %div3A_999 : f32 to vector<16xf32>
    %div3A_1001 = arith.divf %div3A_1000, %add3A_998 : vector<16xf32>
    %mul3A_1002 = arith.constant 1.400000e+00 : f32
    %mul3A_1003 = vector.broadcast %mul3A_1002 : f32 to vector<16xf32>
    %mul3A_1004 = arith.mulf %mul3A_1003, %div3A_1001 : vector<16xf32>
    %add3A_1005 = arith.constant 1.000000e-01 : f32
    %add3A_1006 = vector.broadcast %add3A_1005 : f32 to vector<16xf32>
    %add3A_1007 = arith.addf %add3A_1006, %mul3A_1004 : vector<16xf32>
    %add3A_1008 = arith.constant 15 : i32
    %add3A_1009 = vector.broadcast %add3A_1008 : i32 to vector<16xi32>
    %add3A_1010 = arith.addi %add3A_687, %add3A_1009 : vector<16xi32>
    %mul3A_1011 = arith.mulf %gather3A_755, %add3A_981 : vector<16xf32>
    %add3A_1012 = arith.addf %add3A_1007, %mul3A_1011 : vector<16xf32>
    %mul3A_1013 = arith.mulf %get3A_15, %add3A_1012 : vector<16xf32>
    %add3A_1014 = arith.constant 1.000000e+00 : f32
    %add3A_1015 = vector.broadcast %add3A_1014 : f32 to vector<16xf32>
    %add3A_1016 = arith.addf %add3A_1015, %mul3A_1013 : vector<16xf32>
    tpu.vector_store_idx %arg12[%add3A_1010], %add3A_1016 : memref<1024xf32, #tpu.memory_space<vmem>>[vector<16xi32>], vector<16xf32>,
    %mul3A_1017 = arith.constant 16 : i32
    %mul3A_1018 = vector.broadcast %mul3A_1017 : i32 to vector<16xi32>
    %mul3A_1019 = arith.muli %mul3A_1018, %iota3A : vector<16xi32>
    %add3A_1020 = arith.constant 768 : i32
    %add3A_1021 = vector.broadcast %add3A_1020 : i32 to vector<16xi32>
    %add3A_1022 = arith.addi %add3A_1021, %mul3A_1019 : vector<16xi32>
    %add3A_1023 = arith.constant 0 : i32
    %add3A_1024 = vector.broadcast %add3A_1023 : i32 to vector<16xi32>
    %add3A_1025 = arith.addi %add3A_1022, %add3A_1024 : vector<16xi32>
    %gather3A_1026 = tpu.vector_load_idx %arg13[%add3A_1025] : memref<1024xf32, #tpu.memory_space<vmem>>[vector<16xi32>], vector<16xf32>,
    %add3A_1027 = arith.constant 1 : i32
    %add3A_1028 = vector.broadcast %add3A_1027 : i32 to vector<16xi32>
    %add3A_1029 = arith.addi %add3A_1022, %add3A_1028 : vector<16xi32>
    %gather3A_1030 = tpu.vector_load_idx %arg13[%add3A_1029] : memref<1024xf32, #tpu.memory_space<vmem>>[vector<16xi32>], vector<16xf32>,
    %add3A_1031 = arith.constant 2 : i32
    %add3A_1032 = vector.broadcast %add3A_1031 : i32 to vector<16xi32>
    %add3A_1033 = arith.addi %add3A_1022, %add3A_1032 : vector<16xi32>
    %gather3A_1034 = tpu.vector_load_idx %arg13[%add3A_1033] : memref<1024xf32, #tpu.memory_space<vmem>>[vector<16xi32>], vector<16xf32>,
    %add3A_1035 = arith.constant 3 : i32
    %add3A_1036 = vector.broadcast %add3A_1035 : i32 to vector<16xi32>
    %add3A_1037 = arith.addi %add3A_1022, %add3A_1036 : vector<16xi32>
    %gather3A_1038 = tpu.vector_load_idx %arg13[%add3A_1037] : memref<1024xf32, #tpu.memory_space<vmem>>[vector<16xi32>], vector<16xf32>,
    %add3A_1039 = arith.constant 4 : i32
    %add3A_1040 = vector.broadcast %add3A_1039 : i32 to vector<16xi32>
    %add3A_1041 = arith.addi %add3A_1022, %add3A_1040 : vector<16xi32>
    %gather3A_1042 = tpu.vector_load_idx %arg13[%add3A_1041] : memref<1024xf32, #tpu.memory_space<vmem>>[vector<16xi32>], vector<16xf32>,
    %add3A_1043 = arith.constant 5 : i32
    %add3A_1044 = vector.broadcast %add3A_1043 : i32 to vector<16xi32>
    %add3A_1045 = arith.addi %add3A_1022, %add3A_1044 : vector<16xi32>
    %gather3A_1046 = tpu.vector_load_idx %arg13[%add3A_1045] : memref<1024xf32, #tpu.memory_space<vmem>>[vector<16xi32>], vector<16xf32>,
    %add3A_1047 = arith.constant 6 : i32
    %add3A_1048 = vector.broadcast %add3A_1047 : i32 to vector<16xi32>
    %add3A_1049 = arith.addi %add3A_1022, %add3A_1048 : vector<16xi32>
    %gather3A_1050 = tpu.vector_load_idx %arg13[%add3A_1049] : memref<1024xf32, #tpu.memory_space<vmem>>[vector<16xi32>], vector<16xf32>,
    %add3A_1051 = arith.constant 7 : i32
    %add3A_1052 = vector.broadcast %add3A_1051 : i32 to vector<16xi32>
    %add3A_1053 = arith.addi %add3A_1022, %add3A_1052 : vector<16xi32>
    %gather3A_1054 = tpu.vector_load_idx %arg13[%add3A_1053] : memref<1024xf32, #tpu.memory_space<vmem>>[vector<16xi32>], vector<16xf32>,
    %add3A_1055 = arith.constant 8 : i32
    %add3A_1056 = vector.broadcast %add3A_1055 : i32 to vector<16xi32>
    %add3A_1057 = arith.addi %add3A_1022, %add3A_1056 : vector<16xi32>
    %gather3A_1058 = tpu.vector_load_idx %arg13[%add3A_1057] : memref<1024xf32, #tpu.memory_space<vmem>>[vector<16xi32>], vector<16xf32>,
    %add3A_1059 = arith.constant 9 : i32
    %add3A_1060 = vector.broadcast %add3A_1059 : i32 to vector<16xi32>
    %add3A_1061 = arith.addi %add3A_1022, %add3A_1060 : vector<16xi32>
    %gather3A_1062 = tpu.vector_load_idx %arg13[%add3A_1061] : memref<1024xf32, #tpu.memory_space<vmem>>[vector<16xi32>], vector<16xf32>,
    %add3A_1063 = arith.constant 10 : i32
    %add3A_1064 = vector.broadcast %add3A_1063 : i32 to vector<16xi32>
    %add3A_1065 = arith.addi %add3A_1022, %add3A_1064 : vector<16xi32>
    %gather3A_1066 = tpu.vector_load_idx %arg13[%add3A_1065] : memref<1024xf32, #tpu.memory_space<vmem>>[vector<16xi32>], vector<16xf32>,
    %add3A_1067 = arith.constant 11 : i32
    %add3A_1068 = vector.broadcast %add3A_1067 : i32 to vector<16xi32>
    %add3A_1069 = arith.addi %add3A_1022, %add3A_1068 : vector<16xi32>
    %gather3A_1070 = tpu.vector_load_idx %arg13[%add3A_1069] : memref<1024xf32, #tpu.memory_space<vmem>>[vector<16xi32>], vector<16xf32>,
    %add3A_1071 = arith.constant 12 : i32
    %add3A_1072 = vector.broadcast %add3A_1071 : i32 to vector<16xi32>
    %add3A_1073 = arith.addi %add3A_1022, %add3A_1072 : vector<16xi32>
    %gather3A_1074 = tpu.vector_load_idx %arg13[%add3A_1073] : memref<1024xf32, #tpu.memory_space<vmem>>[vector<16xi32>], vector<16xf32>,
    %add3A_1075 = arith.constant 13 : i32
    %add3A_1076 = vector.broadcast %add3A_1075 : i32 to vector<16xi32>
    %add3A_1077 = arith.addi %add3A_1022, %add3A_1076 : vector<16xi32>
    %gather3A_1078 = tpu.vector_load_idx %arg13[%add3A_1077] : memref<1024xf32, #tpu.memory_space<vmem>>[vector<16xi32>], vector<16xf32>,
    %add3A_1079 = arith.constant 14 : i32
    %add3A_1080 = vector.broadcast %add3A_1079 : i32 to vector<16xi32>
    %add3A_1081 = arith.addi %add3A_1022, %add3A_1080 : vector<16xi32>
    %gather3A_1082 = tpu.vector_load_idx %arg13[%add3A_1081] : memref<1024xf32, #tpu.memory_space<vmem>>[vector<16xi32>], vector<16xf32>,
    %add3A_1083 = arith.constant 15 : i32
    %add3A_1084 = vector.broadcast %add3A_1083 : i32 to vector<16xi32>
    %add3A_1085 = arith.addi %add3A_1022, %add3A_1084 : vector<16xi32>
    %gather3A_1086 = tpu.vector_load_idx %arg13[%add3A_1085] : memref<1024xf32, #tpu.memory_space<vmem>>[vector<16xi32>], vector<16xf32>,
    %add3A_1087 = arith.constant 48 : i32
    %add3A_1088 = vector.broadcast %add3A_1087 : i32 to vector<16xi32>
    %add3A_1089 = arith.addi %add3A_1088, %iota3A : vector<16xi32>
    %gather3A_1090 = tpu.vector_load_idx %arg15[%add3A_1089] : memref<64xf32, #tpu.memory_space<vmem>>[vector<16xi32>], vector<16xf32>,
    %add3A_1091 = arith.constant 48 : i32
    %add3A_1092 = vector.broadcast %add3A_1091 : i32 to vector<16xi32>
    %add3A_1093 = arith.addi %add3A_1092, %iota3A : vector<16xi32>
    %gather3A_1094 = tpu.vector_load_idx %arg16[%add3A_1093] : memref<64xf32, #tpu.memory_space<vmem>>[vector<16xi32>], vector<16xf32>,
    %mul3A_1095 = arith.mulf %get3A_15, %gather3A_1094 : vector<16xf32>
    %add3A_1096 = arith.addf %gather3A_1030, %gather3A_1042 : vector<16xf32>
    %mul3A_1097 = arith.constant 5.000000e-01 : f32
    %mul3A_1098 = vector.broadcast %mul3A_1097 : f32 to vector<16xf32>
    %mul3A_1099 = arith.mulf %mul3A_1098, %add3A_1096 : vector<16xf32>
    %neg3A_1100 = arith.constant 0.000000e+00 : f32
    %neg3A_1101 = vector.broadcast %neg3A_1100 : f32 to vector<16xf32>
    %neg3A_1102 = arith.subf %neg3A_1101, %mul3A_1099 : vector<16xf32>
    %exp3A_1103 = math.exp %neg3A_1102 : vector<16xf32>
    %add3A_1104 = arith.constant 1.000000e+00 : f32
    %add3A_1105 = vector.broadcast %add3A_1104 : f32 to vector<16xf32>
    %add3A_1106 = arith.addf %add3A_1105, %exp3A_1103 : vector<16xf32>
    %div3A_1107 = arith.constant 1.000000e+00 : f32
    %div3A_1108 = vector.broadcast %div3A_1107 : f32 to vector<16xf32>
    %div3A_1109 = arith.divf %div3A_1108, %add3A_1106 : vector<16xf32>
    %add3A_1110 = arith.addf %gather3A_1034, %gather3A_1058 : vector<16xf32>
    %mul3A_1111 = arith.constant 5.000000e-01 : f32
    %mul3A_1112 = vector.broadcast %mul3A_1111 : f32 to vector<16xf32>
    %mul3A_1113 = arith.mulf %mul3A_1112, %add3A_1110 : vector<16xf32>
    %neg3A_1114 = arith.constant 0.000000e+00 : f32
    %neg3A_1115 = vector.broadcast %neg3A_1114 : f32 to vector<16xf32>
    %neg3A_1116 = arith.subf %neg3A_1115, %mul3A_1113 : vector<16xf32>
    %exp3A_1117 = math.exp %neg3A_1116 : vector<16xf32>
    %add3A_1118 = arith.constant 1.000000e+00 : f32
    %add3A_1119 = vector.broadcast %add3A_1118 : f32 to vector<16xf32>
    %add3A_1120 = arith.addf %add3A_1119, %exp3A_1117 : vector<16xf32>
    %div3A_1121 = arith.constant 1.000000e+00 : f32
    %div3A_1122 = vector.broadcast %div3A_1121 : f32 to vector<16xf32>
    %div3A_1123 = arith.divf %div3A_1122, %add3A_1120 : vector<16xf32>
    %add3A_1124 = arith.addf %gather3A_1038, %gather3A_1074 : vector<16xf32>
    %mul3A_1125 = arith.constant 5.000000e-01 : f32
    %mul3A_1126 = vector.broadcast %mul3A_1125 : f32 to vector<16xf32>
    %mul3A_1127 = arith.mulf %mul3A_1126, %add3A_1124 : vector<16xf32>
    %neg3A_1128 = arith.constant 0.000000e+00 : f32
    %neg3A_1129 = vector.broadcast %neg3A_1128 : f32 to vector<16xf32>
    %neg3A_1130 = arith.subf %neg3A_1129, %mul3A_1127 : vector<16xf32>
    %exp3A_1131 = math.exp %neg3A_1130 : vector<16xf32>
    %add3A_1132 = arith.constant 1.000000e+00 : f32
    %add3A_1133 = vector.broadcast %add3A_1132 : f32 to vector<16xf32>
    %add3A_1134 = arith.addf %add3A_1133, %exp3A_1131 : vector<16xf32>
    %div3A_1135 = arith.constant 1.000000e+00 : f32
    %div3A_1136 = vector.broadcast %div3A_1135 : f32 to vector<16xf32>
    %div3A_1137 = arith.divf %div3A_1136, %add3A_1134 : vector<16xf32>
    %add3A_1138 = arith.addf %gather3A_1050, %gather3A_1062 : vector<16xf32>
    %mul3A_1139 = arith.constant 5.000000e-01 : f32
    %mul3A_1140 = vector.broadcast %mul3A_1139 : f32 to vector<16xf32>
    %mul3A_1141 = arith.mulf %mul3A_1140, %add3A_1138 : vector<16xf32>
    %neg3A_1142 = arith.constant 0.000000e+00 : f32
    %neg3A_1143 = vector.broadcast %neg3A_1142 : f32 to vector<16xf32>
    %neg3A_1144 = arith.subf %neg3A_1143, %mul3A_1141 : vector<16xf32>
    %exp3A_1145 = math.exp %neg3A_1144 : vector<16xf32>
    %add3A_1146 = arith.constant 1.000000e+00 : f32
    %add3A_1147 = vector.broadcast %add3A_1146 : f32 to vector<16xf32>
    %add3A_1148 = arith.addf %add3A_1147, %exp3A_1145 : vector<16xf32>
    %div3A_1149 = arith.constant 1.000000e+00 : f32
    %div3A_1150 = vector.broadcast %div3A_1149 : f32 to vector<16xf32>
    %div3A_1151 = arith.divf %div3A_1150, %add3A_1148 : vector<16xf32>
    %add3A_1152 = arith.addf %gather3A_1054, %gather3A_1078 : vector<16xf32>
    %mul3A_1153 = arith.constant 5.000000e-01 : f32
    %mul3A_1154 = vector.broadcast %mul3A_1153 : f32 to vector<16xf32>
    %mul3A_1155 = arith.mulf %mul3A_1154, %add3A_1152 : vector<16xf32>
    %neg3A_1156 = arith.constant 0.000000e+00 : f32
    %neg3A_1157 = vector.broadcast %neg3A_1156 : f32 to vector<16xf32>
    %neg3A_1158 = arith.subf %neg3A_1157, %mul3A_1155 : vector<16xf32>
    %exp3A_1159 = math.exp %neg3A_1158 : vector<16xf32>
    %add3A_1160 = arith.constant 1.000000e+00 : f32
    %add3A_1161 = vector.broadcast %add3A_1160 : f32 to vector<16xf32>
    %add3A_1162 = arith.addf %add3A_1161, %exp3A_1159 : vector<16xf32>
    %div3A_1163 = arith.constant 1.000000e+00 : f32
    %div3A_1164 = vector.broadcast %div3A_1163 : f32 to vector<16xf32>
    %div3A_1165 = arith.divf %div3A_1164, %add3A_1162 : vector<16xf32>
    %add3A_1166 = arith.addf %gather3A_1070, %gather3A_1082 : vector<16xf32>
    %mul3A_1167 = arith.constant 5.000000e-01 : f32
    %mul3A_1168 = vector.broadcast %mul3A_1167 : f32 to vector<16xf32>
    %mul3A_1169 = arith.mulf %mul3A_1168, %add3A_1166 : vector<16xf32>
    %neg3A_1170 = arith.constant 0.000000e+00 : f32
    %neg3A_1171 = vector.broadcast %neg3A_1170 : f32 to vector<16xf32>
    %neg3A_1172 = arith.subf %neg3A_1171, %mul3A_1169 : vector<16xf32>
    %exp3A_1173 = math.exp %neg3A_1172 : vector<16xf32>
    %add3A_1174 = arith.constant 1.000000e+00 : f32
    %add3A_1175 = vector.broadcast %add3A_1174 : f32 to vector<16xf32>
    %add3A_1176 = arith.addf %add3A_1175, %exp3A_1173 : vector<16xf32>
    %div3A_1177 = arith.constant 1.000000e+00 : f32
    %div3A_1178 = vector.broadcast %div3A_1177 : f32 to vector<16xf32>
    %div3A_1179 = arith.divf %div3A_1178, %add3A_1176 : vector<16xf32>
    %add3A_1180 = arith.constant 1 : i32
    %add3A_1181 = vector.broadcast %add3A_1180 : i32 to vector<16xi32>
    %add3A_1182 = arith.addi %add3A_1022, %add3A_1181 : vector<16xi32>
    %mul3A_1183 = arith.mulf %mul3A_1095, %div3A_1109 : vector<16xf32>
    tpu.vector_store_idx %arg12[%add3A_1182], %mul3A_1183 : memref<1024xf32, #tpu.memory_space<vmem>>[vector<16xi32>], vector<16xf32>,
    %add3A_1184 = arith.constant 2 : i32
    %add3A_1185 = vector.broadcast %add3A_1184 : i32 to vector<16xi32>
    %add3A_1186 = arith.addi %add3A_1022, %add3A_1185 : vector<16xi32>
    %mul3A_1187 = arith.mulf %mul3A_1095, %div3A_1123 : vector<16xf32>
    tpu.vector_store_idx %arg12[%add3A_1186], %mul3A_1187 : memref<1024xf32, #tpu.memory_space<vmem>>[vector<16xi32>], vector<16xf32>,
    %add3A_1188 = arith.constant 3 : i32
    %add3A_1189 = vector.broadcast %add3A_1188 : i32 to vector<16xi32>
    %add3A_1190 = arith.addi %add3A_1022, %add3A_1189 : vector<16xi32>
    %mul3A_1191 = arith.mulf %mul3A_1095, %div3A_1137 : vector<16xf32>
    tpu.vector_store_idx %arg12[%add3A_1190], %mul3A_1191 : memref<1024xf32, #tpu.memory_space<vmem>>[vector<16xi32>], vector<16xf32>,
    %add3A_1192 = arith.constant 6 : i32
    %add3A_1193 = vector.broadcast %add3A_1192 : i32 to vector<16xi32>
    %add3A_1194 = arith.addi %add3A_1022, %add3A_1193 : vector<16xi32>
    %mul3A_1195 = arith.mulf %mul3A_1095, %div3A_1151 : vector<16xf32>
    tpu.vector_store_idx %arg12[%add3A_1194], %mul3A_1195 : memref<1024xf32, #tpu.memory_space<vmem>>[vector<16xi32>], vector<16xf32>,
    %add3A_1196 = arith.constant 7 : i32
    %add3A_1197 = vector.broadcast %add3A_1196 : i32 to vector<16xi32>
    %add3A_1198 = arith.addi %add3A_1022, %add3A_1197 : vector<16xi32>
    %mul3A_1199 = arith.mulf %mul3A_1095, %div3A_1165 : vector<16xf32>
    tpu.vector_store_idx %arg12[%add3A_1198], %mul3A_1199 : memref<1024xf32, #tpu.memory_space<vmem>>[vector<16xi32>], vector<16xf32>,
    %add3A_1200 = arith.constant 11 : i32
    %add3A_1201 = vector.broadcast %add3A_1200 : i32 to vector<16xi32>
    %add3A_1202 = arith.addi %add3A_1022, %add3A_1201 : vector<16xi32>
    %mul3A_1203 = arith.mulf %mul3A_1095, %div3A_1179 : vector<16xf32>
    tpu.vector_store_idx %arg12[%add3A_1202], %mul3A_1203 : memref<1024xf32, #tpu.memory_space<vmem>>[vector<16xi32>], vector<16xf32>,
    %add3A_1204 = arith.addf %div3A_1109, %div3A_1123 : vector<16xf32>
    %add3A_1205 = arith.addf %add3A_1204, %div3A_1137 : vector<16xf32>
    %mul3A_1206 = arith.constant 4 : i32
    %mul3A_1207 = vector.broadcast %mul3A_1206 : i32 to vector<16xi32>
    %mul3A_1208 = arith.muli %mul3A_1207, %iota3A : vector<16xi32>
    %add3A_1209 = arith.constant 192 : i32
    %add3A_1210 = vector.broadcast %add3A_1209 : i32 to vector<16xi32>
    %add3A_1211 = arith.addi %add3A_1210, %mul3A_1208 : vector<16xi32>
    %add3A_1212 = arith.constant 0 : i32
    %add3A_1213 = vector.broadcast %add3A_1212 : i32 to vector<16xi32>
    %add3A_1214 = arith.addi %add3A_1211, %add3A_1213 : vector<16xi32>
    %gather3A_1215 = tpu.vector_load_idx %arg14[%add3A_1214] : memref<256xf32, #tpu.memory_space<vmem>>[vector<16xi32>], vector<16xf32>,
    %neg3A_1216 = arith.constant 0.000000e+00 : f32
    %neg3A_1217 = vector.broadcast %neg3A_1216 : f32 to vector<16xf32>
    %neg3A_1218 = arith.subf %neg3A_1217, %gather3A_1215 : vector<16xf32>
    %exp3A_1219 = math.exp %neg3A_1218 : vector<16xf32>
    %add3A_1220 = arith.constant 1.000000e+00 : f32
    %add3A_1221 = vector.broadcast %add3A_1220 : f32 to vector<16xf32>
    %add3A_1222 = arith.addf %add3A_1221, %exp3A_1219 : vector<16xf32>
    %div3A_1223 = arith.constant 1.000000e+00 : f32
    %div3A_1224 = vector.broadcast %div3A_1223 : f32 to vector<16xf32>
    %div3A_1225 = arith.divf %div3A_1224, %add3A_1222 : vector<16xf32>
    %mul3A_1226 = arith.constant 1.400000e+00 : f32
    %mul3A_1227 = vector.broadcast %mul3A_1226 : f32 to vector<16xf32>
    %mul3A_1228 = arith.mulf %mul3A_1227, %div3A_1225 : vector<16xf32>
    %add3A_1229 = arith.constant 1.000000e-01 : f32
    %add3A_1230 = vector.broadcast %add3A_1229 : f32 to vector<16xf32>
    %add3A_1231 = arith.addf %add3A_1230, %mul3A_1228 : vector<16xf32>
    %add3A_1232 = arith.constant 0 : i32
    %add3A_1233 = vector.broadcast %add3A_1232 : i32 to vector<16xi32>
    %add3A_1234 = arith.addi %add3A_1022, %add3A_1233 : vector<16xi32>
    %mul3A_1235 = arith.mulf %gather3A_1090, %add3A_1205 : vector<16xf32>
    %add3A_1236 = arith.addf %add3A_1231, %mul3A_1235 : vector<16xf32>
    %mul3A_1237 = arith.mulf %get3A_15, %add3A_1236 : vector<16xf32>
    %add3A_1238 = arith.constant 1.000000e+00 : f32
    %add3A_1239 = vector.broadcast %add3A_1238 : f32 to vector<16xf32>
    %add3A_1240 = arith.addf %add3A_1239, %mul3A_1237 : vector<16xf32>
    tpu.vector_store_idx %arg12[%add3A_1234], %add3A_1240 : memref<1024xf32, #tpu.memory_space<vmem>>[vector<16xi32>], vector<16xf32>,
    %add3A_1241 = arith.addf %div3A_1109, %div3A_1151 : vector<16xf32>
    %add3A_1242 = arith.addf %add3A_1241, %div3A_1165 : vector<16xf32>
    %mul3A_1243 = arith.constant 4 : i32
    %mul3A_1244 = vector.broadcast %mul3A_1243 : i32 to vector<16xi32>
    %mul3A_1245 = arith.muli %mul3A_1244, %iota3A : vector<16xi32>
    %add3A_1246 = arith.constant 192 : i32
    %add3A_1247 = vector.broadcast %add3A_1246 : i32 to vector<16xi32>
    %add3A_1248 = arith.addi %add3A_1247, %mul3A_1245 : vector<16xi32>
    %add3A_1249 = arith.constant 1 : i32
    %add3A_1250 = vector.broadcast %add3A_1249 : i32 to vector<16xi32>
    %add3A_1251 = arith.addi %add3A_1248, %add3A_1250 : vector<16xi32>
    %gather3A_1252 = tpu.vector_load_idx %arg14[%add3A_1251] : memref<256xf32, #tpu.memory_space<vmem>>[vector<16xi32>], vector<16xf32>,
    %neg3A_1253 = arith.constant 0.000000e+00 : f32
    %neg3A_1254 = vector.broadcast %neg3A_1253 : f32 to vector<16xf32>
    %neg3A_1255 = arith.subf %neg3A_1254, %gather3A_1252 : vector<16xf32>
    %exp3A_1256 = math.exp %neg3A_1255 : vector<16xf32>
    %add3A_1257 = arith.constant 1.000000e+00 : f32
    %add3A_1258 = vector.broadcast %add3A_1257 : f32 to vector<16xf32>
    %add3A_1259 = arith.addf %add3A_1258, %exp3A_1256 : vector<16xf32>
    %div3A_1260 = arith.constant 1.000000e+00 : f32
    %div3A_1261 = vector.broadcast %div3A_1260 : f32 to vector<16xf32>
    %div3A_1262 = arith.divf %div3A_1261, %add3A_1259 : vector<16xf32>
    %mul3A_1263 = arith.constant 1.400000e+00 : f32
    %mul3A_1264 = vector.broadcast %mul3A_1263 : f32 to vector<16xf32>
    %mul3A_1265 = arith.mulf %mul3A_1264, %div3A_1262 : vector<16xf32>
    %add3A_1266 = arith.constant 1.000000e-01 : f32
    %add3A_1267 = vector.broadcast %add3A_1266 : f32 to vector<16xf32>
    %add3A_1268 = arith.addf %add3A_1267, %mul3A_1265 : vector<16xf32>
    %add3A_1269 = arith.constant 5 : i32
    %add3A_1270 = vector.broadcast %add3A_1269 : i32 to vector<16xi32>
    %add3A_1271 = arith.addi %add3A_1022, %add3A_1270 : vector<16xi32>
    %mul3A_1272 = arith.mulf %gather3A_1090, %add3A_1242 : vector<16xf32>
    %add3A_1273 = arith.addf %add3A_1268, %mul3A_1272 : vector<16xf32>
    %mul3A_1274 = arith.mulf %get3A_15, %add3A_1273 : vector<16xf32>
    %add3A_1275 = arith.constant 1.000000e+00 : f32
    %add3A_1276 = vector.broadcast %add3A_1275 : f32 to vector<16xf32>
    %add3A_1277 = arith.addf %add3A_1276, %mul3A_1274 : vector<16xf32>
    tpu.vector_store_idx %arg12[%add3A_1271], %add3A_1277 : memref<1024xf32, #tpu.memory_space<vmem>>[vector<16xi32>], vector<16xf32>,
    %add3A_1278 = arith.addf %div3A_1123, %div3A_1151 : vector<16xf32>
    %add3A_1279 = arith.addf %add3A_1278, %div3A_1179 : vector<16xf32>
    %mul3A_1280 = arith.constant 4 : i32
    %mul3A_1281 = vector.broadcast %mul3A_1280 : i32 to vector<16xi32>
    %mul3A_1282 = arith.muli %mul3A_1281, %iota3A : vector<16xi32>
    %add3A_1283 = arith.constant 192 : i32
    %add3A_1284 = vector.broadcast %add3A_1283 : i32 to vector<16xi32>
    %add3A_1285 = arith.addi %add3A_1284, %mul3A_1282 : vector<16xi32>
    %add3A_1286 = arith.constant 2 : i32
    %add3A_1287 = vector.broadcast %add3A_1286 : i32 to vector<16xi32>
    %add3A_1288 = arith.addi %add3A_1285, %add3A_1287 : vector<16xi32>
    %gather3A_1289 = tpu.vector_load_idx %arg14[%add3A_1288] : memref<256xf32, #tpu.memory_space<vmem>>[vector<16xi32>], vector<16xf32>,
    %neg3A_1290 = arith.constant 0.000000e+00 : f32
    %neg3A_1291 = vector.broadcast %neg3A_1290 : f32 to vector<16xf32>
    %neg3A_1292 = arith.subf %neg3A_1291, %gather3A_1289 : vector<16xf32>
    %exp3A_1293 = math.exp %neg3A_1292 : vector<16xf32>
    %add3A_1294 = arith.constant 1.000000e+00 : f32
    %add3A_1295 = vector.broadcast %add3A_1294 : f32 to vector<16xf32>
    %add3A_1296 = arith.addf %add3A_1295, %exp3A_1293 : vector<16xf32>
    %div3A_1297 = arith.constant 1.000000e+00 : f32
    %div3A_1298 = vector.broadcast %div3A_1297 : f32 to vector<16xf32>
    %div3A_1299 = arith.divf %div3A_1298, %add3A_1296 : vector<16xf32>
    %mul3A_1300 = arith.constant 1.400000e+00 : f32
    %mul3A_1301 = vector.broadcast %mul3A_1300 : f32 to vector<16xf32>
    %mul3A_1302 = arith.mulf %mul3A_1301, %div3A_1299 : vector<16xf32>
    %add3A_1303 = arith.constant 1.000000e-01 : f32
    %add3A_1304 = vector.broadcast %add3A_1303 : f32 to vector<16xf32>
    %add3A_1305 = arith.addf %add3A_1304, %mul3A_1302 : vector<16xf32>
    %add3A_1306 = arith.constant 10 : i32
    %add3A_1307 = vector.broadcast %add3A_1306 : i32 to vector<16xi32>
    %add3A_1308 = arith.addi %add3A_1022, %add3A_1307 : vector<16xi32>
    %mul3A_1309 = arith.mulf %gather3A_1090, %add3A_1279 : vector<16xf32>
    %add3A_1310 = arith.addf %add3A_1305, %mul3A_1309 : vector<16xf32>
    %mul3A_1311 = arith.mulf %get3A_15, %add3A_1310 : vector<16xf32>
    %add3A_1312 = arith.constant 1.000000e+00 : f32
    %add3A_1313 = vector.broadcast %add3A_1312 : f32 to vector<16xf32>
    %add3A_1314 = arith.addf %add3A_1313, %mul3A_1311 : vector<16xf32>
    tpu.vector_store_idx %arg12[%add3A_1308], %add3A_1314 : memref<1024xf32, #tpu.memory_space<vmem>>[vector<16xi32>], vector<16xf32>,
    %add3A_1315 = arith.addf %div3A_1137, %div3A_1165 : vector<16xf32>
    %add3A_1316 = arith.addf %add3A_1315, %div3A_1179 : vector<16xf32>
    %mul3A_1317 = arith.constant 4 : i32
    %mul3A_1318 = vector.broadcast %mul3A_1317 : i32 to vector<16xi32>
    %mul3A_1319 = arith.muli %mul3A_1318, %iota3A : vector<16xi32>
    %add3A_1320 = arith.constant 192 : i32
    %add3A_1321 = vector.broadcast %add3A_1320 : i32 to vector<16xi32>
    %add3A_1322 = arith.addi %add3A_1321, %mul3A_1319 : vector<16xi32>
    %add3A_1323 = arith.constant 3 : i32
    %add3A_1324 = vector.broadcast %add3A_1323 : i32 to vector<16xi32>
    %add3A_1325 = arith.addi %add3A_1322, %add3A_1324 : vector<16xi32>
    %gather3A_1326 = tpu.vector_load_idx %arg14[%add3A_1325] : memref<256xf32, #tpu.memory_space<vmem>>[vector<16xi32>], vector<16xf32>,
    %neg3A_1327 = arith.constant 0.000000e+00 : f32
    %neg3A_1328 = vector.broadcast %neg3A_1327 : f32 to vector<16xf32>
    %neg3A_1329 = arith.subf %neg3A_1328, %gather3A_1326 : vector<16xf32>
    %exp3A_1330 = math.exp %neg3A_1329 : vector<16xf32>
    %add3A_1331 = arith.constant 1.000000e+00 : f32
    %add3A_1332 = vector.broadcast %add3A_1331 : f32 to vector<16xf32>
    %add3A_1333 = arith.addf %add3A_1332, %exp3A_1330 : vector<16xf32>
    %div3A_1334 = arith.constant 1.000000e+00 : f32
    %div3A_1335 = vector.broadcast %div3A_1334 : f32 to vector<16xf32>
    %div3A_1336 = arith.divf %div3A_1335, %add3A_1333 : vector<16xf32>
    %mul3A_1337 = arith.constant 1.400000e+00 : f32
    %mul3A_1338 = vector.broadcast %mul3A_1337 : f32 to vector<16xf32>
    %mul3A_1339 = arith.mulf %mul3A_1338, %div3A_1336 : vector<16xf32>
    %add3A_1340 = arith.constant 1.000000e-01 : f32
    %add3A_1341 = vector.broadcast %add3A_1340 : f32 to vector<16xf32>
    %add3A_1342 = arith.addf %add3A_1341, %mul3A_1339 : vector<16xf32>
    %add3A_1343 = arith.constant 15 : i32
    %add3A_1344 = vector.broadcast %add3A_1343 : i32 to vector<16xi32>
    %add3A_1345 = arith.addi %add3A_1022, %add3A_1344 : vector<16xi32>
    %mul3A_1346 = arith.mulf %gather3A_1090, %add3A_1316 : vector<16xf32>
    %add3A_1347 = arith.addf %add3A_1342, %mul3A_1346 : vector<16xf32>
    %mul3A_1348 = arith.mulf %get3A_15, %add3A_1347 : vector<16xf32>
    %add3A_1349 = arith.constant 1.000000e+00 : f32
    %add3A_1350 = vector.broadcast %add3A_1349 : f32 to vector<16xf32>
    %add3A_1351 = arith.addf %add3A_1350, %mul3A_1348 : vector<16xf32>
    tpu.vector_store_idx %arg12[%add3A_1345], %add3A_1351 : memref<1024xf32, #tpu.memory_space<vmem>>[vector<16xi32>], vector<16xf32>,
    %parallel_loop3A = arith.constant 0 : i32
    %parallel_loop3A_1352 = arith.constant 64 : i32
    %parallel_loop3A_1353 = arith.constant 1 : i32
    scf.for %parallel_loop3A_1356 = %parallel_loop3A to %parallel_loop3A_1352 step %parallel_loop3A_1353  : i32 {
      %parallel_loop3A_1357 = arith.constant 16 : i32
      %parallel_loop3A_1358 = arith.muli %parallel_loop3A_1356, %parallel_loop3A_1357 : i32
      %parallel_loop3A_1359 = arith.index_cast %parallel_loop3A_1358 : i32 to index
      %parallel_loop3A_1360 = tpu.vector_load %arg11[%parallel_loop3A_1359] {strides = array<i32>} : memref<1024xi32, #tpu.memory_space<vmem>>, vector<16xi32>,
      %parallel_loop3A_1361 = vector.broadcast %parallel_loop3A_1358 : i32 to vector<16xi32>
      %parallel_loop3A_1362 = arith.addi %parallel_loop3A_1361, %iota3A : vector<16xi32>
      %parallel_loop3A_1363 = arith.constant 4 : i32
      %parallel_loop3A_1364 = vector.broadcast %parallel_loop3A_1363 : i32 to vector<16xi32>
      %parallel_loop3A_1365 = arith.muli %parallel_loop3A_1362, %parallel_loop3A_1364 : vector<16xi32>
      %parallel_loop3A_1366 = arith.constant 7 : i32
      %parallel_loop3A_1367 = vector.broadcast %parallel_loop3A_1366 : i32 to vector<16xi32>
      %parallel_loop3A_1368 = arith.shrui %parallel_loop3A_1365, %parallel_loop3A_1367 : vector<16xi32>
      %parallel_loop3A_1369 = arith.constant 127 : i32
      %parallel_loop3A_1370 = vector.broadcast %parallel_loop3A_1369 : i32 to vector<16xi32>
      %parallel_loop3A_1371 = arith.andi %parallel_loop3A_1365, %parallel_loop3A_1370 : vector<16xi32>
      %parallel_loop3A_1372 = tpu.vector_load_idx %arg10[%parallel_loop3A_1368, %parallel_loop3A_1371] : memref<32x128xf32, #tpu.memory_space<vmem>>[vector<16xi32>, vector<16xi32>], vector<16xf32>,
      %parallel_loop3A_1373 = arith.constant 1 : i32
      %parallel_loop3A_1374 = vector.broadcast %parallel_loop3A_1373 : i32 to vector<16xi32>
      %parallel_loop3A_1375 = arith.addi %parallel_loop3A_1371, %parallel_loop3A_1374 : vector<16xi32>
      %parallel_loop3A_1376 = tpu.vector_load_idx %arg10[%parallel_loop3A_1368, %parallel_loop3A_1375] : memref<32x128xf32, #tpu.memory_space<vmem>>[vector<16xi32>, vector<16xi32>], vector<16xf32>,
      %parallel_loop3A_1377 = arith.constant 2 : i32
      %parallel_loop3A_1378 = vector.broadcast %parallel_loop3A_1377 : i32 to vector<16xi32>
      %parallel_loop3A_1379 = arith.addi %parallel_loop3A_1371, %parallel_loop3A_1378 : vector<16xi32>
      %parallel_loop3A_1380 = tpu.vector_load_idx %arg10[%parallel_loop3A_1368, %parallel_loop3A_1379] : memref<32x128xf32, #tpu.memory_space<vmem>>[vector<16xi32>, vector<16xi32>], vector<16xf32>,
      %parallel_loop3A_1381 = arith.constant 3 : i32
      %parallel_loop3A_1382 = vector.broadcast %parallel_loop3A_1381 : i32 to vector<16xi32>
      %parallel_loop3A_1383 = arith.addi %parallel_loop3A_1371, %parallel_loop3A_1382 : vector<16xi32>
      %parallel_loop3A_1384 = tpu.vector_load_idx %arg10[%parallel_loop3A_1368, %parallel_loop3A_1383] : memref<32x128xf32, #tpu.memory_space<vmem>>[vector<16xi32>, vector<16xi32>], vector<16xf32>,
      %parallel_loop3A_1385 = arith.constant 16 : i32
      %parallel_loop3A_1386 = vector.broadcast %parallel_loop3A_1385 : i32 to vector<16xi32>
      %parallel_loop3A_1387 = arith.muli %parallel_loop3A_1360, %parallel_loop3A_1386 : vector<16xi32>
      %parallel_loop3A_1388 = tpu.vector_load_idx %arg12[%parallel_loop3A_1387] : memref<1024xf32, #tpu.memory_space<vmem>>[vector<16xi32>], vector<16xf32>,
      %parallel_loop3A_1389 = arith.constant 5 : i32
      %parallel_loop3A_1390 = vector.broadcast %parallel_loop3A_1389 : i32 to vector<16xi32>
      %parallel_loop3A_1391 = arith.addi %parallel_loop3A_1387, %parallel_loop3A_1390 : vector<16xi32>
      %parallel_loop3A_1392 = tpu.vector_load_idx %arg12[%parallel_loop3A_1391] : memref<1024xf32, #tpu.memory_space<vmem>>[vector<16xi32>], vector<16xf32>,
      %parallel_loop3A_1393 = arith.constant 10 : i32
      %parallel_loop3A_1394 = vector.broadcast %parallel_loop3A_1393 : i32 to vector<16xi32>
      %parallel_loop3A_1395 = arith.addi %parallel_loop3A_1387, %parallel_loop3A_1394 : vector<16xi32>
      %parallel_loop3A_1396 = tpu.vector_load_idx %arg12[%parallel_loop3A_1395] : memref<1024xf32, #tpu.memory_space<vmem>>[vector<16xi32>], vector<16xf32>,
      %parallel_loop3A_1397 = arith.constant 15 : i32
      %parallel_loop3A_1398 = vector.broadcast %parallel_loop3A_1397 : i32 to vector<16xi32>
      %parallel_loop3A_1399 = arith.addi %parallel_loop3A_1387, %parallel_loop3A_1398 : vector<16xi32>
      %parallel_loop3A_1400 = tpu.vector_load_idx %arg12[%parallel_loop3A_1399] : memref<1024xf32, #tpu.memory_space<vmem>>[vector<16xi32>], vector<16xf32>,
      %parallel_loop3A_1401 = arith.constant 1 : i32
      %parallel_loop3A_1402 = vector.broadcast %parallel_loop3A_1401 : i32 to vector<16xi32>
      %parallel_loop3A_1403 = arith.addi %parallel_loop3A_1387, %parallel_loop3A_1402 : vector<16xi32>
      %parallel_loop3A_1404 = tpu.vector_load_idx %arg12[%parallel_loop3A_1403] : memref<1024xf32, #tpu.memory_space<vmem>>[vector<16xi32>], vector<16xf32>,
      %parallel_loop3A_1405 = arith.constant 2 : i32
      %parallel_loop3A_1406 = vector.broadcast %parallel_loop3A_1405 : i32 to vector<16xi32>
      %parallel_loop3A_1407 = arith.addi %parallel_loop3A_1387, %parallel_loop3A_1406 : vector<16xi32>
      %parallel_loop3A_1408 = tpu.vector_load_idx %arg12[%parallel_loop3A_1407] : memref<1024xf32, #tpu.memory_space<vmem>>[vector<16xi32>], vector<16xf32>,
      %parallel_loop3A_1409 = arith.constant 3 : i32
      %parallel_loop3A_1410 = vector.broadcast %parallel_loop3A_1409 : i32 to vector<16xi32>
      %parallel_loop3A_1411 = arith.addi %parallel_loop3A_1387, %parallel_loop3A_1410 : vector<16xi32>
      %parallel_loop3A_1412 = tpu.vector_load_idx %arg12[%parallel_loop3A_1411] : memref<1024xf32, #tpu.memory_space<vmem>>[vector<16xi32>], vector<16xf32>,
      %parallel_loop3A_1413 = arith.constant 6 : i32
      %parallel_loop3A_1414 = vector.broadcast %parallel_loop3A_1413 : i32 to vector<16xi32>
      %parallel_loop3A_1415 = arith.addi %parallel_loop3A_1387, %parallel_loop3A_1414 : vector<16xi32>
      %parallel_loop3A_1416 = tpu.vector_load_idx %arg12[%parallel_loop3A_1415] : memref<1024xf32, #tpu.memory_space<vmem>>[vector<16xi32>], vector<16xf32>,
      %parallel_loop3A_1417 = arith.constant 7 : i32
      %parallel_loop3A_1418 = vector.broadcast %parallel_loop3A_1417 : i32 to vector<16xi32>
      %parallel_loop3A_1419 = arith.addi %parallel_loop3A_1387, %parallel_loop3A_1418 : vector<16xi32>
      %parallel_loop3A_1420 = tpu.vector_load_idx %arg12[%parallel_loop3A_1419] : memref<1024xf32, #tpu.memory_space<vmem>>[vector<16xi32>], vector<16xf32>,
      %parallel_loop3A_1421 = arith.constant 11 : i32
      %parallel_loop3A_1422 = vector.broadcast %parallel_loop3A_1421 : i32 to vector<16xi32>
      %parallel_loop3A_1423 = arith.addi %parallel_loop3A_1387, %parallel_loop3A_1422 : vector<16xi32>
      %parallel_loop3A_1424 = tpu.vector_load_idx %arg12[%parallel_loop3A_1423] : memref<1024xf32, #tpu.memory_space<vmem>>[vector<16xi32>], vector<16xf32>,
      %parallel_loop3A_1425 = arith.mulf %parallel_loop3A_1388, %parallel_loop3A_1372 : vector<16xf32>
      %parallel_loop3A_1426 = arith.mulf %parallel_loop3A_1404, %parallel_loop3A_1376 : vector<16xf32>
      %parallel_loop3A_1427 = arith.addf %parallel_loop3A_1425, %parallel_loop3A_1426 : vector<16xf32>
      %parallel_loop3A_1428 = arith.mulf %parallel_loop3A_1408, %parallel_loop3A_1380 : vector<16xf32>
      %parallel_loop3A_1429 = arith.addf %parallel_loop3A_1427, %parallel_loop3A_1428 : vector<16xf32>
      %parallel_loop3A_1430 = arith.mulf %parallel_loop3A_1412, %parallel_loop3A_1384 : vector<16xf32>
      %parallel_loop3A_1431 = arith.addf %parallel_loop3A_1429, %parallel_loop3A_1430 : vector<16xf32>
      %parallel_loop3A_1432 = arith.mulf %parallel_loop3A_1372, %parallel_loop3A_1372 : vector<16xf32>
      %parallel_loop3A_1433 = arith.mulf %parallel_loop3A_1432, %parallel_loop3A_1372 : vector<16xf32>
      %parallel_loop3A_1434 = arith.mulf %get3A_15, %parallel_loop3A_1433 : vector<16xf32>
      %parallel_loop3A_1435 = arith.subf %parallel_loop3A_1431, %parallel_loop3A_1434 : vector<16xf32>
      %parallel_loop3A_1436 = arith.mulf %parallel_loop3A_1404, %parallel_loop3A_1372 : vector<16xf32>
      %parallel_loop3A_1437 = arith.mulf %parallel_loop3A_1392, %parallel_loop3A_1376 : vector<16xf32>
      %parallel_loop3A_1438 = arith.addf %parallel_loop3A_1436, %parallel_loop3A_1437 : vector<16xf32>
      %parallel_loop3A_1439 = arith.mulf %parallel_loop3A_1416, %parallel_loop3A_1380 : vector<16xf32>
      %parallel_loop3A_1440 = arith.addf %parallel_loop3A_1438, %parallel_loop3A_1439 : vector<16xf32>
      %parallel_loop3A_1441 = arith.mulf %parallel_loop3A_1420, %parallel_loop3A_1384 : vector<16xf32>
      %parallel_loop3A_1442 = arith.addf %parallel_loop3A_1440, %parallel_loop3A_1441 : vector<16xf32>
      %parallel_loop3A_1443 = arith.mulf %parallel_loop3A_1376, %parallel_loop3A_1376 : vector<16xf32>
      %parallel_loop3A_1444 = arith.mulf %parallel_loop3A_1443, %parallel_loop3A_1376 : vector<16xf32>
      %parallel_loop3A_1445 = arith.mulf %get3A_15, %parallel_loop3A_1444 : vector<16xf32>
      %parallel_loop3A_1446 = arith.subf %parallel_loop3A_1442, %parallel_loop3A_1445 : vector<16xf32>
      %parallel_loop3A_1447 = arith.mulf %parallel_loop3A_1408, %parallel_loop3A_1372 : vector<16xf32>
      %parallel_loop3A_1448 = arith.mulf %parallel_loop3A_1416, %parallel_loop3A_1376 : vector<16xf32>
      %parallel_loop3A_1449 = arith.addf %parallel_loop3A_1447, %parallel_loop3A_1448 : vector<16xf32>
      %parallel_loop3A_1450 = arith.mulf %parallel_loop3A_1396, %parallel_loop3A_1380 : vector<16xf32>
      %parallel_loop3A_1451 = arith.addf %parallel_loop3A_1449, %parallel_loop3A_1450 : vector<16xf32>
      %parallel_loop3A_1452 = arith.mulf %parallel_loop3A_1424, %parallel_loop3A_1384 : vector<16xf32>
      %parallel_loop3A_1453 = arith.addf %parallel_loop3A_1451, %parallel_loop3A_1452 : vector<16xf32>
      %parallel_loop3A_1454 = arith.mulf %parallel_loop3A_1380, %parallel_loop3A_1380 : vector<16xf32>
      %parallel_loop3A_1455 = arith.mulf %parallel_loop3A_1454, %parallel_loop3A_1380 : vector<16xf32>
      %parallel_loop3A_1456 = arith.mulf %get3A_15, %parallel_loop3A_1455 : vector<16xf32>
      %parallel_loop3A_1457 = arith.subf %parallel_loop3A_1453, %parallel_loop3A_1456 : vector<16xf32>
      %parallel_loop3A_1458 = arith.mulf %parallel_loop3A_1412, %parallel_loop3A_1372 : vector<16xf32>
      %parallel_loop3A_1459 = arith.mulf %parallel_loop3A_1420, %parallel_loop3A_1376 : vector<16xf32>
      %parallel_loop3A_1460 = arith.addf %parallel_loop3A_1458, %parallel_loop3A_1459 : vector<16xf32>
      %parallel_loop3A_1461 = arith.mulf %parallel_loop3A_1424, %parallel_loop3A_1380 : vector<16xf32>
      %parallel_loop3A_1462 = arith.addf %parallel_loop3A_1460, %parallel_loop3A_1461 : vector<16xf32>
      %parallel_loop3A_1463 = arith.mulf %parallel_loop3A_1400, %parallel_loop3A_1384 : vector<16xf32>
      %parallel_loop3A_1464 = arith.addf %parallel_loop3A_1462, %parallel_loop3A_1463 : vector<16xf32>
      %parallel_loop3A_1465 = arith.mulf %parallel_loop3A_1384, %parallel_loop3A_1384 : vector<16xf32>
      %parallel_loop3A_1466 = arith.mulf %parallel_loop3A_1465, %parallel_loop3A_1384 : vector<16xf32>
      %parallel_loop3A_1467 = arith.mulf %get3A_15, %parallel_loop3A_1466 : vector<16xf32>
      %parallel_loop3A_1468 = arith.subf %parallel_loop3A_1464, %parallel_loop3A_1467 : vector<16xf32>
      tpu.vector_store_idx %arg18[%parallel_loop3A_1368, %parallel_loop3A_1371], %parallel_loop3A_1435 : memref<32x128xf32, #tpu.memory_space<vmem>>[vector<16xi32>, vector<16xi32>], vector<16xf32>,
      %parallel_loop3A_1469 = arith.constant 1 : i32
      %parallel_loop3A_1470 = vector.broadcast %parallel_loop3A_1469 : i32 to vector<16xi32>
      %parallel_loop3A_1471 = arith.addi %parallel_loop3A_1371, %parallel_loop3A_1470 : vector<16xi32>
      tpu.vector_store_idx %arg18[%parallel_loop3A_1368, %parallel_loop3A_1471], %parallel_loop3A_1446 : memref<32x128xf32, #tpu.memory_space<vmem>>[vector<16xi32>, vector<16xi32>], vector<16xf32>,
      %parallel_loop3A_1472 = arith.constant 2 : i32
      %parallel_loop3A_1473 = vector.broadcast %parallel_loop3A_1472 : i32 to vector<16xi32>
      %parallel_loop3A_1474 = arith.addi %parallel_loop3A_1371, %parallel_loop3A_1473 : vector<16xi32>
      tpu.vector_store_idx %arg18[%parallel_loop3A_1368, %parallel_loop3A_1474], %parallel_loop3A_1457 : memref<32x128xf32, #tpu.memory_space<vmem>>[vector<16xi32>, vector<16xi32>], vector<16xf32>,
      %parallel_loop3A_1475 = arith.constant 3 : i32
      %parallel_loop3A_1476 = vector.broadcast %parallel_loop3A_1475 : i32 to vector<16xi32>
      %parallel_loop3A_1477 = arith.addi %parallel_loop3A_1371, %parallel_loop3A_1476 : vector<16xi32>
      tpu.vector_store_idx %arg18[%parallel_loop3A_1368, %parallel_loop3A_1477], %parallel_loop3A_1468 : memref<32x128xf32, #tpu.memory_space<vmem>>[vector<16xi32>, vector<16xi32>], vector<16xf32>,
    } {sc.loop_unroll_factor = 2 : i64, sc.parallel_access}
    %mul3A_1354 = arith.constant 32 : i32
    %mul3A_1355 = arith.muli %add3A, %mul3A_1354 : i32
    "tpu.region"() ({
      %run_scoped3A = tpu.sem_alloc : memref<!tpu.dma_semaphore, #tpu.memory_space<semaphore_mem>>
      %dma_start3A_1356 = arith.constant 0 : i32
      %dma_start3A_1357 = tpu.memref_slice %arg9[%mul3A_1355, %dma_start3A_1356] : memref<1024x128xf32, #tpu.memory_space<hbm>> -> memref<32x128xf32, #tpu.memory_space<hbm>>
      %dma_start3A_1358 = arith.constant 0 : i32
      %dma_start3A_1359 = tpu.memref_slice %arg9[%mul3A_1355, %dma_start3A_1358] : memref<1024x128xf32, #tpu.memory_space<hbm>> -> memref<32x128xf32, #tpu.memory_space<hbm>>
      tpu.enqueue_dma source(%arg18 : memref<32x128xf32, #tpu.memory_space<vmem>>) target(%dma_start3A_1359 : memref<32x128xf32, #tpu.memory_space<hbm>>) target_semaphore(%run_scoped3A : memref<!tpu.dma_semaphore, #tpu.memory_space<semaphore_mem>>)
      %dma_wait3A_1360 = arith.constant 0 : i32
      %dma_wait3A_1361 = tpu.memref_slice %arg9[%mul3A_1355, %dma_wait3A_1360] : memref<1024x128xf32, #tpu.memory_space<hbm>> -> memref<32x128xf32, #tpu.memory_space<hbm>>
      %dma_wait3A_1362 = arith.constant 0 : i32
      %dma_wait3A_1363 = tpu.memref_slice %arg9[%mul3A_1355, %dma_wait3A_1362] : memref<1024x128xf32, #tpu.memory_space<hbm>> -> memref<32x128xf32, #tpu.memory_space<hbm>>
      tpu.wait_dma2 semaphore(%run_scoped3A : memref<!tpu.dma_semaphore, #tpu.memory_space<semaphore_mem>>) src(%arg18 : memref<32x128xf32, #tpu.memory_space<vmem>>) dst(%dma_wait3A_1363 : memref<32x128xf32, #tpu.memory_space<hbm>>)
      tpu.yield
    }) : () -> ()
    return
  }
}

</mosaic_0001>

<sc_bundles>
// kernel: kernel.3.cloned.1.call-start
scs
__scs_entry_jumppad:
0x0: {  	(pc) =	sbr.rel $0x88, $3  }
0x1: {  	(tag) =	ssettag $0x0;
	lr =	simm.s32 $0x1  }
0x2: {  	[smem:$0x3F9A] =	sst lr;
	_ =	strace $0xD0000000  }
0x3: {  	_ = 	snop  }
0x4: {  	_ = 	snop  }
0x5: {  	_ = 	snop  }
0x6: {  	_ = 	snop  }
0x7: {  	_ = 	snop  }
__scs_overlays_trampoline_lowered:
0x8: {  	[smem:$0x3FA9] =	sst s0  }
0x9: {  	[smem:$0x3FAA] =	sst s1  }
0xa: {  	[smem:$0x3FAB] =	sst s2  }
0xb: {  	[smem:$0x3FAC] =	sst s3  }
0xc: {  	[smem:$0x3FAD] =	sst s4  }
0xd: {  	[smem:$0x3FAE] =	sst s5  }
0xe: {  	[smem:$0x3FAF] =	sst s6  }
0xf: {  	[smem:$0x3FB0] =	sst s7  }
0x10: {  	[smem:$0x3FB1] =	sst s8  }
0x11: {  	[smem:$0x3FB2] =	sst s9;
	s0 =	simm.s32 @!p0 $0x0  }
0x12: {  	s1 =	sld [smem:$0x3F98];
	s0 =	simm.s32 @p0 $0x1  }
0x13: {  	[smem:$0x3FB3] =	sst s0;
	s0 =	simm.s32 @!p1 $0x0  }
0x14: {  	s2 =	sld [smem:$0x3F97];
	s0 =	simm.s32 @p1 $0x1  }
0x15: {  	[smem:$0x3FB4] =	sst s0;
	s0 =	simm.s32 @!p2 $0x0  }
0x16: {  	s3 =	sld [smem:$0x3FDB];
	s0 =	simm.s32 @p2 $0x1  }
0x17: {  	s4 =	simm.s32 $0x1BF5;
	[smem:$0x3FB6] =	sst s0  }
0x18: {  	s0 =	sld [smem:$0x3F99];
	_ =	swait.ge [sflag:s4], $0x0  }
0x19: {  	s7 =	sld [smem:$0x3F9A]  }
0x1a: {  	s8 =	sadd.s32 $0xFFFFE003, lr  }
0x1b: {  	s9 =	sadd.s32 $0xFFFFFEF7, lr;
	s5 =	simm.s32 $0xFFFFFFFF;
	p2 =	slt.u32 s8, $0xFFFFF086  }
0x1c: {  	p1 =	slt.u32 s9, $0xF7A;
	s5 =	simm.s32 @!p2 $0x0  }
0x1d: {  	s5 =	simm.s32 @p1 $0x1;
	p0 =	seq.s32 s7, s2  }
0x1e: {  	s7 =	smul.u32 @!p0 $0xF7A, s2;
	p2 =	seq.s32 @!p0 s5, $0x0  }
0x1f: {  	s9 =	smul.u32 $0xF7A, s1;
	s8 =	simm.s32 @!p0 $0x1BF5;
	p2 =	por !p2, p0  }
0x20: {  	[sflag:s8] =	ssyncset.s32 @!p0 $0xFFFFF086;
	s6 =	sadd.s32 @!p0 s3, s7;
	s7 =	simm.s32 @!p0 $0x108  }
0x21: {  	s3 =	sadd.s32 s3, s9;
	s6 =	sadd.s32 @!p0 $0x88, s6;
	s7 =	simm.s32 @p2 $0x1082  }
0x22: {  	[simem:s7], [sflag:s8] =	dma.local @!p0 [hbm:s6], $0xF7A  }
0x23: {  	s9 =	sor.u32 $0xD0000000, s2;
	s6 =	simm.s32 $0x108;
	_ =	swait.ge @!p0 [sflag:s8], $0x0  }
0x24: {  	s3 =	sadd.s32 $0x88, s3;
	s6 =	simm.s32 @!p1 $0x1082;
	[sflag:s4] =	ssyncset.s32 $0xFFFFF086  }
0x25: {  	[simem:s6], [sflag:s4] =	dma.local [hbm:s3], $0xF7A  }
0x26: {  	[smem:$0x3F9A] =	sst s1;
	(tag) =	ssettag s2;
	_ =	strace s9  }
0x27: {  	s1 =	sld [smem:$0x3FAA]  }
0x28: {  	s2 =	sld [smem:$0x3FAB]  }
0x29: {  	s4 =	sld [smem:$0x3FAD]  }
0x2a: {  	p0 =	seq.s32 s5, $0x0;
	s5 =	sld [smem:$0x3FAE]  }
0x2b: {  	s6 =	sld [smem:$0x3FAF]  }
0x2c: {  	s7 =	sld [smem:$0x3FB0]  }
0x2d: {  	s3 =	simm.s32 $0x108;
	s8 =	sld [smem:$0x3FB1]  }
0x2e: {  	s3 =	simm.s32 @!p0 $0x1082;
	s9 =	sld [smem:$0x3FB2]  }
0x2f: {  	lr =	sadd.s32 s0, s3;
	s0 =	sld [smem:$0x3FA9]  }
0x30: {  	s3 =	sld [smem:$0x3FAC]  }
0x31: {  	[smem:$0x3FB5] =	sst s10  }
0x32: {  	s10 =	sld [smem:$0x3FB3];
	_ =	sdelay $0x3  }
0x33: {  	p0 =	seq.s32 s10, $0x1;
	s10 =	sld [smem:$0x3FB5];
	_ =	sdelay $0x3  }
0x34: {  	[smem:$0x3FB5] =	sst s10  }
0x35: {  	s10 =	sld [smem:$0x3FB4];
	_ =	sdelay $0x3  }
0x36: {  	p1 =	seq.s32 s10, $0x1;
	s10 =	sld [smem:$0x3FB5];
	_ =	sdelay $0x3  }
0x37: {  	[smem:$0x3FB5] =	sst s10  }
0x38: {  	s10 =	sld [smem:$0x3FB6]  }
0x39: {  	_ = 	snop;
	(pc) =	sbr.ind lr, $3  }
0x3a: {  	_ = 	snop  }
0x3b: {  	_ = 	snop  }
0x3c: {  	p2 =	seq.s32 s10, $0x1;
	s10 =	sld [smem:$0x3FB5]  }
0x3d: {  	_ =	shalt  }
0x3e: {  	_ =	shalt  }
0x3f: {  	_ =	shalt  }
0x40: {  	_ =	shalt  }
0x41: {  	_ =	shalt  }
0x42: {  	_ =	shalt  }
0x43: {  	_ =	shalt  }
0x44: {  	_ =	shalt  }
0x45: {  	_ =	shalt  }
0x46: {  	_ =	shalt  }
0x47: {  	_ =	shalt  }
0x48: {  	_ =	shalt  }
0x49: {  	_ =	shalt  }
0x4a: {  	_ =	shalt  }
0x4b: {  	_ =	shalt  }
0x4c: {  	_ =	shalt  }
0x4d: {  	_ =	shalt  }
0x4e: {  	_ =	shalt  }
0x4f: {  	_ =	shalt  }
0x50: {  	_ =	shalt  }
0x51: {  	_ =	shalt  }
0x52: {  	_ =	shalt  }
0x53: {  	_ =	shalt  }
0x54: {  	_ =	shalt  }
0x55: {  	_ =	shalt  }
0x56: {  	_ =	shalt  }
0x57: {  	_ =	shalt  }
0x58: {  	_ =	shalt  }
0x59: {  	_ =	shalt  }
0x5a: {  	_ =	shalt  }
0x5b: {  	_ =	shalt  }
0x5c: {  	_ =	shalt  }
0x5d: {  	_ =	shalt  }
0x5e: {  	_ =	shalt  }
0x5f: {  	_ =	shalt  }
0x60: {  	_ =	shalt  }
0x61: {  	_ =	shalt  }
0x62: {  	_ =	shalt  }
0x63: {  	_ =	shalt  }
0x64: {  	_ =	shalt  }
0x65: {  	_ =	shalt  }
0x66: {  	_ =	shalt  }
0x67: {  	_ =	shalt  }
0x68: {  	_ =	shalt  }
0x69: {  	_ =	shalt  }
0x6a: {  	_ =	shalt  }
0x6b: {  	_ =	shalt  }
0x6c: {  	_ =	shalt  }
0x6d: {  	_ =	shalt  }
0x6e: {  	_ =	shalt  }
0x6f: {  	_ =	shalt  }
0x70: {  	_ =	shalt  }
0x71: {  	_ =	shalt  }
0x72: {  	_ =	shalt  }
0x73: {  	_ =	shalt  }
0x74: {  	_ =	shalt  }
0x75: {  	_ =	shalt  }
0x76: {  	_ =	shalt  }
0x77: {  	_ =	shalt  }
0x78: {  	_ =	shalt  }
0x79: {  	_ =	shalt  }
0x7a: {  	_ =	shalt  }
0x7b: {  	_ =	shalt  }
0x7c: {  	_ =	shalt  }
0x7d: {  	_ =	shalt  }
0x7e: {  	_ =	shalt  }
0x7f: {  	_ =	shalt  }
0x80: {  	_ =	shalt  }
0x81: {  	_ =	shalt  }
0x82: {  	_ =	shalt  }
0x83: {  	_ =	shalt  }
0x84: {  	_ =	shalt  }
0x85: {  	_ =	shalt  }
0x86: {  	_ =	shalt  }
0x87: {  	_ =	shalt  }
.Lfunc_end0:
.L_simem_size_0:
called_computation_lowered:
.L_overlay_start_0:
0x88: {  	s2 =	sld [smem:$0x3FD9]  }
0x89: {  	s3 =	sld [smem:$0x3FFE];
	_ =	sdelay $0x1  }
0x8a: {  	s1 =	srdreg.scid  }
0x8b: {  	s0 =	sand.u32 $0x1, s1  }
0x8c: {  	s17 =	sshll.u32 s0, $0xA;
	s2 =	sadd.s32 s3, s2  }
0x8d: {  	s2 =	sadd.s32 s2, s17  }
0x8e: {  	[smem:$0x3FC1] =	sst s2  }
0x8f: {  	_ = 	snop  }
0x90: {  	s2 =	sld [smem:$0x3FC6]  }
0x91: {  	s18 =	sld [smem:$0x3FC5]  }
0x92: {  	s4 =	sld [smem:$0x3FC4]  }
0x93: {  	s5 =	sld [smem:$0x3FD0];
	(tm) =	ssettm $0x1  }
0x94: {  	s6 =	sld [smem:$0x3FFB];
	_ =	sdelay $0x3  }
0x95: {  	_ =	strace s6  }
0x96: {  	s6 =	sld [smem:$0x3FFC];
	_ =	sdelay $0x3  }
0x97: {  	_ =	strace s6  }
0x98: {  	s6 =	sld [smem:$0x3FFD];
	_ =	sdelay $0x3  }
0x99: {  	_ =	strace s6  }
0x9a: {  	_ =	strace $0x8FFFFFFF  }
0x9b: {  	s19 =	sld [smem:$0x3FDB];
	_ =	sdelay $0x1  }
0x9c: {  	s7 =	simm.s32 $_scs_section_size  }
0x9d: {  	s8 =	simm.s32 $_size__tile_overlayer_lowered;
	s9 =	simm.s32 $_tile_overlayer_lowered  }
0x9e: {  	s22 =	simm.s32 $0x1BFF;
	s21 =	sshll.u32 s9, $0x1;
	s6 =	sadd.s32 s7, s19  }
0x9f: {  	s10 =	simm.s32 $0x0;
	s20 =	sshll.u32 s8, $0x1;
	s8 =	sadd.s32 s21, s6  }
0xa0: {  	[timem:s10], [sflag:s22] =	dma.local [hbm:s8], s20  }
0xa1: {  	_ =	swait.ge [sflag:s22], s20  }
0xa2: {  	s7 =	ssub.s32 $0x0, s20;
	[sflag:s22] =	ssyncset.done $0x0  }
0xa3: {  	[sflag:s22] =	ssyncadd.s32 s7;
	_ =	sdelay $0x1  }
0xa4: {  	s23 =	simm.s32 $0x1B8B  }
0xa5: {  	_ =	swait.ge [sflag:s23], $0x1  }
0xa6: {  	[sflag:s23] =	ssyncset.done $0x0  }
0xa7: {  	s25 =	simm.s32 $0x1B8E;
	s24 =	sld [smem:$0x3FFE];
	[sflag:s23] =	ssyncadd.s32 $0xFFFFFFFF  }
0xa8: {  	s26 =	simm.s32 $execute0_lowered;
	[smem:$0x3FD2] =	sst s25  }
0xa9: {  	s8 =	sshll.u32 s26, $0x1;
	_ =	strace $0x80000046;
	[dreg:$0x1] =	wrdreg $0xFFFFFFFF  }
0xaa: {  	s28 =	simm.s32 $_size_execute0_lowered;
	s6 =	sadd.s32 s6, s8;
	[dreg:$0x0] =	wrdreg $0x0  }
0xab: {  	s8 =	sshll.u32 s28, $0x1;
	[dreg:$0x2] =	wrdreg s6  }
0xac: {  	[dreg:$0x3] =	wrdreg s8  }
0xad: {  	[dreg:$0x4] =	wrdreg $0xC0  }
0xae: {  	_ =	task [dreg:s10], $0x5FFFF  }
0xaf: {  	[dreg:$0x1] =	wrdreg $0xFFFFFFFF  }
0xb0: {  	[dreg:$0x0] =	wrdreg $0x60  }
0xb1: {  	[dreg:$0x2] =	wrdreg s5  }
0xb2: {  	[dreg:$0x3] =	wrdreg s4  }
0xb3: {  	[dreg:$0x4] =	wrdreg s24  }
0xb4: {  	[dreg:$0x5] =	wrdreg s2  }
0xb5: {  	[dreg:$0x6] =	wrdreg s18  }
0xb6: {  	[dreg:$0x7] =	wrdreg $0x9  }
0xb7: {  	_ =	task.clear_ibuf [dreg:s10], $0x8FFFF;
	_ =	strace $0x90000046  }
0xb8: {  	s29 =	simm.s32 $0x9;
	_ =	strace $0x80000048  }
0xb9: {  	_ =	swait.ge [sflag:s29], $0x1  }
0xba: {  	[sflag:s29] =	ssyncadd.s32 $0xFFFFFFFF  }
0xbb: {  	_ =	strace $0x90000048  }
0xbc: {  	_ =	sfence  }
0xbd: {  	s30 =	sld [smem:$0x0];
	_ =	sdelay $0x2  }
0xbe: {  	s31 =	sshll.u32 s1, $0xD;
	s1 =	sshrl.u32 s1, $0x2  }
0xbf: {  	s3 =	sand.u32 $0x4000, s31;
	s1 =	sadd.s32 s1, s30  }
0xc0: {  	s0 =	sor.u32 s3, s0;
	s1 =	sshll.u32 s1, $0x11  }
0xc1: {  	s0 =	sor.u32 s1, s0  }
0xc2: {  	s0 =	sadd.s32 $0x8F2B, s0  }
0xc3: {  	[sflag:s0] =	ssyncadd.remote.s32 $0x1  }
0xc4: {  	_ =	sfence.sel $0xFFFF  }
0xc5: {  	[dreg:$0x0] =	wrdreg $0xFFFFFFFF;
	(pc) =	sbr.abs _section_cstart, $3  }
0xc6: {  	[dreg:$0x1] =	wrdreg $0xFFFFFFFF  }
0xc7: {  	_ =	task.clear_ibuf [dreg:s10], $0x2FFFF;
	_ =	strace $0x9FFFFFFF  }
0xc8: {  	(tm) =	ssettm $0x7FFFFFFF  }
0xc9: {  	_ =	shalt  }
tec
execute0_lowered:
.L_overlay_start_1:
0x0: {  	(tag) =	ssettag $0x1  }
0x1: {  	v0 =	vlaneseq.u32  }
0x2: {  	v1 =	vmul.u32 $0x10, v0;
	_ =	sdelay $0x1  }
0x3: {  	v2 =	vor.u32 $0x1, v1  }
0x4: {  	[tilespmem:$0x1FCF0] =	vst v2;
	v2 =	vor.u32 $0x2, v1  }
0x5: {  	[tilespmem:$0x1FD00] =	vst v2;
	v2 =	vor.u32 $0x3, v1  }
0x6: {  	[tilespmem:$0x1FD10] =	vst v2;
	v2 =	vor.u32 $0x4, v1  }
0x7: {  	[tilespmem:$0x1FD20] =	vst v2;
	v2 =	vor.u32 $0x6, v1  }
0x8: {  	[tilespmem:$0x1FD30] =	vst v2;
	v2 =	vor.u32 $0x7, v1  }
0x9: {  	[tilespmem:$0x1FD40] =	vst v2;
	v2 =	vor.u32 $0x8, v1  }
0xa: {  	[tilespmem:$0x1FD50] =	vst v2;
	v2 =	vor.u32 $0x9, v1  }
0xb: {  	[tilespmem:$0x1FD60] =	vst v2;
	v2 =	vor.u32 $0xB, v1  }
0xc: {  	[tilespmem:$0x1FD70] =	vst v2;
	v2 =	vor.u32 $0xC, v1  }
0xd: {  	v9 =	vmul.u32 $0x4, v0;
	[tilespmem:$0x1FD80] =	vst v2;
	v2 =	vor.u32 $0xD, v1  }
0xe: {  	[tilespmem:$0x1FD90] =	vst v2;
	v2 =	vor.u32 $0xE, v1  }
0xf: {  	[tilespmem:$0x1FDA0] =	vst v2;
	v2 =	vor.u32 $0x1, v9  }
0x10: {  	[tilespmem:$0x1FDB0] =	vst v2;
	v2 =	vor.u32 $0x5, v1  }
0x11: {  	[tilespmem:$0x1FDC0] =	vst v2;
	v2 =	vor.u32 $0x2, v9  }
0x12: {  	[tilespmem:$0x1FDD0] =	vst v2;
	v2 =	vor.u32 $0xA, v1  }
0x13: {  	[tilespmem:$0x1FDE0] =	vst v2;
	v2 =	vor.u32 $0x3, v9  }
0x14: {  	[tilespmem:$0x1FDF0] =	vst v2;
	v2 =	vor.u32 $0xF, v1  }
0x15: {  	[tilespmem:$0x1FE00] =	vst v2;
	v2 =	vor.u32 $0x101, v1  }
0x16: {  	[tilespmem:$0x1FE10] =	vst v2;
	v2 =	vor.u32 $0x102, v1  }
0x17: {  	[tilespmem:$0x1FE20] =	vst v2;
	v2 =	vor.u32 $0x103, v1  }
0x18: {  	[tilespmem:$0x1FE30] =	vst v2;
	v2 =	vor.u32 $0x104, v1  }
0x19: {  	s8 =	rddreg [dreg:$0x0];
	[tilespmem:$0x1FE40] =	vst v2;
	v2 =	vor.u32 $0x108, v1  }
0x1a: {  	s9 =	rddreg [dreg:$0x1];
	[tilespmem:$0x1FE50] =	vst v2;
	v2 =	vor.u32 $0x109, v1  }
0x1b: {  	s10 =	rddreg [dreg:$0x2];
	[tilespmem:$0x1FE60] =	vst v2;
	v2 =	vor.u32 $0x10C, v1  }
0x1c: {  	s0 =	rddreg [dreg:$0x3];
	[tilespmem:$0x1FE70] =	vst v2;
	v2 =	vor.u32 $0x10D, v1  }
0x1d: {  	s2 =	rddreg [dreg:$0x4];
	s3 =	simm.s32 $0x0;
	[tilespmem:$0x1FE80] =	vst v2;
	v2 =	vor.u32 $0x10E, v1  }
0x1e: {  	[smem:$0x7FF] =	sst s3;
	[tilespmem:$0x1FE90] =	vst v2;
	v2 =	vor.u32 $0x40, v9  }
0x1f: {  	s1 =	rddreg [dreg:$0x5];
	v33 =	vor.u32 $0x10, v0;
	v54 =	vor.u32 $0x20, v0;
	v0 =	vor.u32 $0x80, v9;
	_ =	strace $0x80000047;
	[tilespmem:$0x1FEA0] =	vst v2  }
0x20: {  	v2 =	vor.u32 $0x100, v1;
	[tilespmem:$0x1FF80] =	vst v0  }
0x21: {  	v0 =	vor.u32 $0x200, v1;
	[tilespmem:$0x1FEB0] =	vst v2  }
0x22: {  	v2 =	vor.u32 $0x41, v9;
	[tilespmem:$0x1FF90] =	vst v0  }
0x23: {  	v0 =	vor.u32 $0x81, v9;
	[tilespmem:$0x1FEC0] =	vst v2  }
0x24: {  	v2 =	vor.u32 $0x105, v1;
	[tilespmem:$0x1FFA0] =	vst v0  }
0x25: {  	v0 =	vor.u32 $0x205, v1;
	[tilespmem:$0x1FED0] =	vst v2  }
0x26: {  	v2 =	vor.u32 $0x42, v9;
	[tilespmem:$0x1FFB0] =	vst v0  }
0x27: {  	v0 =	vor.u32 $0x82, v9;
	[tilespmem:$0x1FEE0] =	vst v2  }
0x28: {  	v2 =	vor.u32 $0x10A, v1;
	[tilespmem:$0x1FFC0] =	vst v0  }
0x29: {  	v0 =	vor.u32 $0x20A, v1;
	[tilespmem:$0x1FEF0] =	vst v2  }
0x2a: {  	v2 =	vor.u32 $0x43, v9;
	[tilespmem:$0x1FFD0] =	vst v0  }
0x2b: {  	s6 =	srdreg.scid;
	s4 =	stileid.u32;
	v0 =	vor.u32 $0x83, v9;
	[tilespmem:$0x1FF00] =	vst v2  }
0x2c: {  	s15 =	simm.s32 $0x1D00;
	s16 =	simm.s32 $0x1D80;
	s17 =	simm.s32 $0x1E00;
	v2 =	vor.u32 $0x10F, v1;
	[tilespmem:$0x1FFE0] =	vst v0  }
0x2d: {  	s18 =	simm.s32 $0x1;
	s19 =	simm.s32 $0x1400;
	s20 =	simm.s32 $0x1E80;
	v0 =	vor.u32 $0x20F, v1;
	[tilespmem:$0x1FF10] =	vst v2  }
0x2e: {  	s21 =	simm.s32 $0x2;
	s22 =	simm.s32 $0x0;
	s5 =	sadd.s32 $0x800, s10;
	v2 =	vor.u32 $0x204, v1;
	[tilespmem:$0x1FFF0] =	vst v0  }
0x2f: {  	s7 =	sand.u32 $0x1, s6;
	s11 =	sshll.u32 s4, $0x1;
	s6 =	sadd.s32 $0xA00, s10;
	[tilespmem:$0x1FF20] =	vst v2;
	v2 =	vor.u32 $0x208, v1  }
0x30: {  	s11 =	sor.u32 s7, s11;
	s12 =	ssub.s32 $0x2, s7;
	s7 =	sadd.s32 $0xC00, s10;
	v25 =	vor.u32 $0x106, v1;
	[tilespmem:$0x1FF30] =	vst v2;
	v2 =	vor.u32 $0x209, v1  }
0x31: {  	v26 =	vor.u32 $0x107, v1;
	v29 =	vor.u32 $0x10B, v1;
	s13 =	sshll.u32 s11, $0x9;
	s14 =	sshrl.u32 s12, $0x1;
	s11 =	sshll.u32 s11, $0x7;
	[tilespmem:$0x1FF40] =	vst v2;
	v2 =	vor.u32 $0x20C, v1  }
0x32: {  	v42 =	vor.u32 $0x201, v1;
	v43 =	vor.u32 $0x202, v1;
	s10 =	sadd.s32 s13, s10;
	s12 =	ssub.s32 s12, s14;
	s8 =	sadd.s32 s8, s13;
	[tilespmem:$0x1FF50] =	vst v2;
	v2 =	vor.u32 $0x20D, v1  }
0x33: {  	v44 =	vor.u32 $0x203, v1;
	v46 =	vor.u32 $0x206, v1;
	s9 =	sadd.s32 s9, s11;
	s13 =	simm.s32 $0x1800;
	s14 =	simm.s32 $0x1C00;
	[tilespmem:$0x1FF60] =	vst v2;
	v2 =	vor.u32 $0x20E, v1  }
0x34: {  	v47 =	vor.u32 $0x207, v1;
	v50 =	vor.u32 $0x20B, v1;
	v63 =	vor.u32 $0x301, v1;
	s10 =	sadd.s32 $0xE00, s10;
	s11 =	smax.u32 s12, $0x1;
	s12 =	simm.s32 $0x1000;
	[tilespmem:$0x1FF70] =	vst v2  }
.LBB2_1:
0x35: {  	[tilespmem:s3], [sflag:$0x1] =	stream.linear.gather [hbm4b:s8+s3], $0x1000, $0x38;
	[tilespmem:$0x2E80] =	vst v63  }
0x36: {  	_ = 	snop  }
0x37: {  	[tilespmem:s12], [sflag:$0x1] =	stream.linear.gather [hbm4b:s9+s3], $0x400, $0x38;
	[tilespmem:$0x2E80] =	vst v63  }
0x38: {  	_ = 	snop  }
0x39: {  	[tilespmem:s13], [sflag:$0x1] =	stream.linear.gather [hbm4b:s5+s3], $0x400, $0x38;
	[tilespmem:$0x2E80] =	vst v63  }
0x3a: {  	_ = 	snop  }
0x3b: {  	[tilespmem:s14], [sflag:$0x1] =	stream.linear.gather [hbm4b:s6+s3], $0x100, $0x38;
	[tilespmem:$0x2E80] =	vst v63  }
0x3c: {  	_ = 	snop  }
0x3d: {  	[tilespmem:s15], [sflag:$0x1] =	stream.linear.gather [hbm4b:s0+s3], $0x80, $0x38;
	[tilespmem:$0x2E80] =	vst v63  }
0x3e: {  	_ = 	snop  }
0x3f: {  	[tilespmem:s16], [sflag:$0x1] =	stream.linear.gather [hbm4b:s2+s3], $0x80, $0x38;
	[tilespmem:$0x2E80] =	vst v63  }
0x40: {  	_ = 	snop  }
0x41: {  	[tilespmem:s17], [sflag:$0x1] =	stream.linear.gather [hbm4b:s7+s3], $0x80, $0x38;
	[tilespmem:$0x2E80] =	vst v63  }
0x42: {  	_ =	swait.ge [sflag:s18], $0x1000  }
0x43: {  	[sflag:s18] =	ssyncset.done $0x0  }
0x44: {  	[sflag:s18] =	ssyncadd.s32 $0xFFFFF000  }
0x45: {  	_ =	swait.ge [sflag:s18], $0x400  }
0x46: {  	[sflag:s18] =	ssyncset.done $0x0  }
0x47: {  	[sflag:s18] =	ssyncadd.s32 $0xFFFFFC00  }
0x48: {  	_ =	swait.ge [sflag:s18], $0x400  }
0x49: {  	[sflag:s18] =	ssyncset.done $0x0  }
0x4a: {  	[sflag:s18] =	ssyncadd.s32 $0xFFFFFC00  }
0x4b: {  	_ =	swait.ge [sflag:s18], $0x100  }
0x4c: {  	[sflag:s18] =	ssyncset.done $0x0  }
0x4d: {  	[sflag:s18] =	ssyncadd.s32 $0xFFFFFF00  }
0x4e: {  	_ =	swait.ge [sflag:s18], $0x80  }
0x4f: {  	[sflag:s18] =	ssyncset.done $0x0  }
0x50: {  	[sflag:s18] =	ssyncadd.s32 $0xFFFFFF80  }
0x51: {  	_ =	swait.ge [sflag:s18], $0x80  }
0x52: {  	[sflag:s18] =	ssyncset.done $0x0  }
0x53: {  	[sflag:s18] =	ssyncadd.s32 $0xFFFFFF80  }
0x54: {  	_ =	swait.ge [sflag:s18], $0x80  }
0x55: {  	v2 =	vld [tilespmem:$0x1FCF0]  }
0x56: {  	v0 =	vld [tilespmem:$0x1FD20];
	_ =	sdelay $0x4  }
0x57: {  	[sflag:s18] =	ssyncset.done $0x0  }
0x58: {  	[sflag:s18] =	ssyncadd.s32 $0xFFFFFF80  }
0x59: {  	v5 =	vld.idx.msk [tilespmem:v2+s13+$0x0], $0xffff  }
0x5a: {  	v8 =	vld.idx.msk [tilespmem:v0+s13+$0x0], $0xffff;
	_ =	sdelay $0x3  }
0x5b: {  	v3 =	vld [tilespmem:$0x1FD00]  }
0x5c: {  	v0 =	vld [tilespmem:$0x1FD50];
	v5 =	vadd.f32 v8, v5;
	_ =	sdelay $0x1  }
0x5d: {  	v5 =	vmul.f32 $5.000000000e-01, v5;
	_ =	sdelay $0x1  }
0x5e: {  	v5 =	vsub.f32 $0.0e+00, v5;
	_ =	sdelay $0x1  }
0x5f: {  	v5 =	vmul.f32 $1.442695020e+00, v5  }
0x60: {  	v8 =	vld.idx.msk [tilespmem:v3+s13+$0x0], $0xffff  }
0x61: {  	v10 =	vld.idx.msk [tilespmem:v0+s13+$0x0], $0xffff;
	(erf) = vpow2.f32 v5;
	_ =	sdelay $0x3  }
0x62: {  	v4 =	vld [tilespmem:$0x1FD10]  }
0x63: {  	v0 =	vld [tilespmem:$0x1FD80];
	v5 =	vadd.f32 v10, v8;
	_ =	sdelay $0x1  }
0x64: {  	v5 =	vmul.f32 $5.000000000e-01, v5;
	_ =	sdelay $0x1  }
0x65: {  	v5 =	vsub.f32 $0.0e+00, v5;
	v8 =	vpop (erf)  }
0x66: {  	v8 =	vadd.f32 $1.000000000e+00, v8  }
0x67: {  	v5 =	vmul.f32 $1.442695020e+00, v5  }
0x68: {  	v10 =	vld.idx.msk [tilespmem:v4+s13+$0x0], $0xffff;
	(erf) = vrcp.f32 v8  }
0x69: {  	v8 =	vld.idx.msk [tilespmem:v0+s13+$0x0], $0xffff;
	(erf) = vpow2.f32 v5;
	_ =	sdelay $0x3  }
0x6a: {  	v6 =	vld [tilespmem:$0x1FD30]  }
0x6b: {  	v0 =	vld [tilespmem:$0x1FD60];
	v5 =	vadd.f32 v8, v10;
	_ =	sdelay $0x1  }
0x6c: {  	v5 =	vmul.f32 $5.000000000e-01, v5  }
0x6d: {  	v8 =	vpop (erf)  }
0x6e: {  	v5 =	vsub.f32 $0.0e+00, v5;
	v10 =	vpop (erf)  }
0x6f: {  	v10 =	vadd.f32 $1.000000000e+00, v10  }
0x70: {  	v5 =	vmul.f32 $1.442695020e+00, v5  }
0x71: {  	v12 =	vld.idx.msk [tilespmem:v6+s13+$0x0], $0xffff;
	(erf) = vrcp.f32 v10  }
0x72: {  	v10 =	vld.idx.msk [tilespmem:v0+s13+$0x0], $0xffff;
	(erf) = vpow2.f32 v5;
	_ =	sdelay $0x3  }
0x73: {  	v7 =	vld [tilespmem:$0x1FD40]  }
0x74: {  	v0 =	vld [tilespmem:$0x1FD90];
	v5 =	vadd.f32 v10, v12;
	_ =	sdelay $0x1  }
0x75: {  	v5 =	vmul.f32 $5.000000000e-01, v5  }
0x76: {  	v10 =	vpop (erf)  }
0x77: {  	v5 =	vsub.f32 $0.0e+00, v5;
	v12 =	vpop (erf)  }
0x78: {  	v12 =	vadd.f32 $1.000000000e+00, v12  }
0x79: {  	v5 =	vmul.f32 $1.442695020e+00, v5  }
0x7a: {  	v13 =	vld.idx.msk [tilespmem:v7+s13+$0x0], $0xffff;
	(erf) = vrcp.f32 v12  }
0x7b: {  	v12 =	vld.idx.msk [tilespmem:v0+s13+$0x0], $0xffff;
	(erf) = vpow2.f32 v5;
	_ =	sdelay $0x3  }
0x7c: {  	v11 =	vld [tilespmem:$0x1FD70]  }
0x7d: {  	v0 =	vld [tilespmem:$0x1FDA0];
	v5 =	vadd.f32 v12, v13;
	_ =	sdelay $0x1  }
0x7e: {  	v5 =	vmul.f32 $5.000000000e-01, v5  }
0x7f: {  	v12 =	vpop (erf)  }
0x80: {  	v5 =	vsub.f32 $0.0e+00, v5;
	v13 =	vpop (erf)  }
0x81: {  	v13 =	vadd.f32 $1.000000000e+00, v13  }
0x82: {  	v5 =	vmul.f32 $1.442695020e+00, v5  }
0x83: {  	v14 =	vld.idx.msk [tilespmem:v11+s13+$0x0], $0xffff;
	(erf) = vrcp.f32 v13  }
0x84: {  	v13 =	vld.idx.msk [tilespmem:v0+s13+$0x0], $0xffff;
	(erf) = vpow2.f32 v5;
	_ =	sdelay $0x4  }
0x85: {  	v5 =	vadd.f32 v13, v14;
	_ =	sdelay $0x1  }
0x86: {  	v5 =	vmul.f32 $5.000000000e-01, v5  }
0x87: {  	v13 =	vpop (erf)  }
0x88: {  	v5 =	vsub.f32 $0.0e+00, v5;
	v14 =	vpop (erf)  }
0x89: {  	v14 =	vadd.f32 $1.000000000e+00, v14  }
0x8a: {  	v5 =	vmul.f32 $1.442695020e+00, v5  }
0x8b: {  	(erf) = vrcp.f32 v14  }
0x8c: {  	(erf) = vpow2.f32 v5;
	_ =	sdelay $0x3  }
0x8d: {  	v0 =	vlaneseq.u32;
	_ =	sdelay $0x3  }
0x8e: {  	v14 =	vpop (erf)  }
0x8f: {  	v16 =	vld.idx.msk [tilespmem:v0+s16+$0x0], $0xffff;
	v15 =	vpop (erf)  }
0x90: {  	v5 =	vld [tilespmem:$0x1E00];
	v15 =	vadd.f32 $1.000000000e+00, v15;
	_ =	sdelay $0x1  }
0x91: {  	(erf) = vrcp.f32 v15;
	_ =	sdelay $0x2  }
0x92: {  	v15 =	vmul.f32 v16, v5;
	_ =	sdelay $0x1  }
0x93: {  	v16 =	vmul.f32 v15, v8  }
0x94: {  	v18 =	vmul.f32 v15, v10  }
0x95: {  	v17 =	vld.idx.msk [tilespmem:v0+s15+$0x0], $0xffff;
	[tilespmem:v2+s19+$0x0] =	vst.idx.msk $0xffff, v16;
	v16 =	vmul.f32 v12, v15  }
0x96: {  	[tilespmem:v3+s19+$0x0] =	vst.idx.msk $0xffff, v18;
	v18 =	vmul.f32 v13, v15  }
0x97: {  	[tilespmem:v4+s19+$0x0] =	vst.idx.msk $0xffff, v16;
	v16 =	vmul.f32 v14, v15;
	v19 =	vpop (erf)  }
0x98: {  	[tilespmem:v6+s19+$0x0] =	vst.idx.msk $0xffff, v18;
	v15 =	vmul.f32 v19, v15  }
0x99: {  	[tilespmem:v7+s19+$0x0] =	vst.idx.msk $0xffff, v16  }
0x9a: {  	[tilespmem:v11+s19+$0x0] =	vst.idx.msk $0xffff, v15  }
0x9b: {  	v15 =	vld.idx.msk [tilespmem:v9+s14+$0x0], $0xffff;
	_ =	sdelay $0x4  }
0x9c: {  	v15 =	vsub.f32 $0.0e+00, v15;
	_ =	sdelay $0x1  }
0x9d: {  	v15 =	vmul.f32 $1.442695020e+00, v15;
	_ =	sdelay $0x1  }
0x9e: {  	(erf) = vpow2.f32 v15;
	_ =	sdelay $0x8  }
0x9f: {  	v15 =	vpop (erf)  }
0xa0: {  	v15 =	vadd.f32 $1.000000000e+00, v15;
	_ =	sdelay $0x1  }
0xa1: {  	(erf) = vrcp.f32 v15;
	_ =	sdelay $0x7  }
0xa2: {  	v15 =	vadd.f32 v10, v8  }
0xa3: {  	v16 =	vpop (erf)  }
0xa4: {  	v15 =	vadd.f32 v12, v15;
	v16 =	vmul.f32 $1.399999980e+00, v16;
	_ =	sdelay $0x1  }
0xa5: {  	v15 =	vmul.f32 v15, v17;
	v16 =	vadd.f32 $1.000000010e-01, v16  }
0xa6: {  	v2 =	vld [tilespmem:$0x1FDB0]  }
0xa7: {  	v15 =	vadd.f32 v16, v15;
	_ =	sdelay $0x1  }
0xa8: {  	v15 =	vmul.f32 v15, v5;
	_ =	sdelay $0x1  }
0xa9: {  	v15 =	vadd.f32 $1.000000000e+00, v15;
	_ =	sdelay $0x1  }
0xaa: {  	[tilespmem:v1+s19+$0x0] =	vst.idx.msk $0xffff, v15  }
0xab: {  	v15 =	vld.idx.msk [tilespmem:v2+s14+$0x0], $0xffff;
	_ =	sdelay $0x4  }
0xac: {  	v15 =	vsub.f32 $0.0e+00, v15;
	_ =	sdelay $0x1  }
0xad: {  	v15 =	vmul.f32 $1.442695020e+00, v15;
	_ =	sdelay $0x1  }
0xae: {  	(erf) = vpow2.f32 v15;
	_ =	sdelay $0x8  }
0xaf: {  	v15 =	vpop (erf)  }
0xb0: {  	v15 =	vadd.f32 $1.000000000e+00, v15;
	_ =	sdelay $0x1  }
0xb1: {  	(erf) = vrcp.f32 v15;
	_ =	sdelay $0x7  }
0xb2: {  	v8 =	vadd.f32 v13, v8  }
0xb3: {  	v15 =	vpop (erf)  }
0xb4: {  	v8 =	vadd.f32 v14, v8;
	v15 =	vmul.f32 $1.399999980e+00, v15;
	_ =	sdelay $0x1  }
0xb5: {  	v8 =	vmul.f32 v8, v17;
	v2 =	vld [tilespmem:$0x1FDC0];
	v15 =	vadd.f32 $1.000000010e-01, v15;
	_ =	sdelay $0x1  }
0xb6: {  	v8 =	vadd.f32 v15, v8;
	_ =	sdelay $0x1  }
0xb7: {  	v8 =	vmul.f32 v8, v5;
	_ =	sdelay $0x1  }
0xb8: {  	v8 =	vadd.f32 $1.000000000e+00, v8;
	_ =	sdelay $0x1  }
0xb9: {  	[tilespmem:v2+s19+$0x0] =	vst.idx.msk $0xffff, v8;
	v2 =	vld [tilespmem:$0x1FDD0];
	_ =	sdelay $0x7  }
0xba: {  	v8 =	vld.idx.msk [tilespmem:v2+s14+$0x0], $0xffff;
	_ =	sdelay $0x4  }
0xbb: {  	v8 =	vsub.f32 $0.0e+00, v8;
	_ =	sdelay $0x1  }
0xbc: {  	v8 =	vmul.f32 $1.442695020e+00, v8;
	_ =	sdelay $0x1  }
0xbd: {  	(erf) = vpow2.f32 v8;
	_ =	sdelay $0x8  }
0xbe: {  	v8 =	vpop (erf)  }
0xbf: {  	v8 =	vadd.f32 $1.000000000e+00, v8;
	_ =	sdelay $0x1  }
0xc0: {  	(erf) = vrcp.f32 v8;
	_ =	sdelay $0x7  }
0xc1: {  	v8 =	vadd.f32 v13, v10  }
0xc2: {  	v10 =	vpop (erf)  }
0xc3: {  	v8 =	vadd.f32 v19, v8;
	v10 =	vmul.f32 $1.399999980e+00, v10;
	_ =	sdelay $0x1  }
0xc4: {  	v2 =	vld [tilespmem:$0x1FDE0];
	v8 =	vmul.f32 v8, v17;
	v10 =	vadd.f32 $1.000000010e-01, v10;
	_ =	sdelay $0x1  }
0xc5: {  	v8 =	vadd.f32 v10, v8;
	_ =	sdelay $0x1  }
0xc6: {  	v8 =	vmul.f32 v8, v5;
	_ =	sdelay $0x1  }
0xc7: {  	v8 =	vadd.f32 $1.000000000e+00, v8;
	_ =	sdelay $0x1  }
0xc8: {  	[tilespmem:v2+s19+$0x0] =	vst.idx.msk $0xffff, v8;
	v2 =	vld [tilespmem:$0x1FDF0];
	_ =	sdelay $0x7  }
0xc9: {  	v8 =	vld.idx.msk [tilespmem:v2+s14+$0x0], $0xffff;
	_ =	sdelay $0x4  }
0xca: {  	v8 =	vsub.f32 $0.0e+00, v8;
	_ =	sdelay $0x1  }
0xcb: {  	v8 =	vmul.f32 $1.442695020e+00, v8;
	_ =	sdelay $0x1  }
0xcc: {  	(erf) = vpow2.f32 v8;
	_ =	sdelay $0x8  }
0xcd: {  	v8 =	vpop (erf)  }
0xce: {  	v8 =	vadd.f32 $1.000000000e+00, v8;
	_ =	sdelay $0x1  }
0xcf: {  	(erf) = vrcp.f32 v8;
	_ =	sdelay $0x7  }
0xd0: {  	v8 =	vadd.f32 v14, v12  }
0xd1: {  	v10 =	vpop (erf)  }
0xd2: {  	v8 =	vadd.f32 v19, v8;
	v10 =	vmul.f32 $1.399999980e+00, v10;
	_ =	sdelay $0x1  }
0xd3: {  	v2 =	vld [tilespmem:$0x1FE00];
	v8 =	vmul.f32 v8, v17;
	v10 =	vadd.f32 $1.000000010e-01, v10;
	_ =	sdelay $0x1  }
0xd4: {  	v8 =	vadd.f32 v10, v8;
	_ =	sdelay $0x1  }
0xd5: {  	v8 =	vmul.f32 v8, v5;
	_ =	sdelay $0x1  }
0xd6: {  	v8 =	vadd.f32 $1.000000000e+00, v8  }
0xd7: {  	v3 =	vld [tilespmem:$0x1FE40]  }
0xd8: {  	[tilespmem:v2+s19+$0x0] =	vst.idx.msk $0xffff, v8;
	v2 =	vld [tilespmem:$0x1FE10];
	_ =	sdelay $0x6  }
0xd9: {  	v10 =	vld.idx.msk [tilespmem:v3+s13+$0x0], $0xffff  }
0xda: {  	v8 =	vld.idx.msk [tilespmem:v2+s13+$0x0], $0xffff;
	_ =	sdelay $0x3  }
0xdb: {  	v4 =	vld [tilespmem:$0x1FE50]  }
0xdc: {  	v3 =	vld [tilespmem:$0x1FE20];
	v8 =	vadd.f32 v10, v8;
	_ =	sdelay $0x1  }
0xdd: {  	v8 =	vmul.f32 $5.000000000e-01, v8;
	_ =	sdelay $0x1  }
0xde: {  	v8 =	vsub.f32 $0.0e+00, v8;
	_ =	sdelay $0x1  }
0xdf: {  	v8 =	vmul.f32 $1.442695020e+00, v8  }
0xe0: {  	v12 =	vld.idx.msk [tilespmem:v4+s13+$0x0], $0xffff  }
0xe1: {  	v10 =	vld.idx.msk [tilespmem:v3+s13+$0x0], $0xffff;
	(erf) = vpow2.f32 v8;
	_ =	sdelay $0x3  }
0xe2: {  	v4 =	vld [tilespmem:$0x1FE30]  }
0xe3: {  	v6 =	vld [tilespmem:$0x1FE70];
	v8 =	vadd.f32 v12, v10;
	_ =	sdelay $0x1  }
0xe4: {  	v8 =	vmul.f32 $5.000000000e-01, v8;
	_ =	sdelay $0x1  }
0xe5: {  	v8 =	vsub.f32 $0.0e+00, v8;
	v10 =	vpop (erf)  }
0xe6: {  	v10 =	vadd.f32 $1.000000000e+00, v10  }
0xe7: {  	v8 =	vmul.f32 $1.442695020e+00, v8  }
0xe8: {  	v12 =	vld.idx.msk [tilespmem:v4+s13+$0x0], $0xffff;
	(erf) = vrcp.f32 v10  }
0xe9: {  	v10 =	vld.idx.msk [tilespmem:v6+s13+$0x0], $0xffff;
	(erf) = vpow2.f32 v8;
	_ =	sdelay $0x4  }
0xea: {  	v6 =	vld [tilespmem:$0x1FE60];
	v8 =	vadd.f32 v10, v12;
	_ =	sdelay $0x1  }
0xeb: {  	v8 =	vmul.f32 $5.000000000e-01, v8  }
0xec: {  	v10 =	vpop (erf)  }
0xed: {  	v8 =	vsub.f32 $0.0e+00, v8;
	v12 =	vpop (erf)  }
0xee: {  	v12 =	vadd.f32 $1.000000000e+00, v12  }
0xef: {  	v8 =	vmul.f32 $1.442695020e+00, v8  }
0xf0: {  	v13 =	vld.idx.msk [tilespmem:v25+s13+$0x0], $0xffff;
	(erf) = vrcp.f32 v12  }
0xf1: {  	v12 =	vld.idx.msk [tilespmem:v6+s13+$0x0], $0xffff;
	(erf) = vpow2.f32 v8;
	_ =	sdelay $0x4  }
0xf2: {  	v6 =	vld [tilespmem:$0x1FE80];
	v8 =	vadd.f32 v12, v13;
	_ =	sdelay $0x1  }
0xf3: {  	v8 =	vmul.f32 $5.000000000e-01, v8  }
0xf4: {  	v12 =	vpop (erf)  }
0xf5: {  	v8 =	vsub.f32 $0.0e+00, v8;
	v13 =	vpop (erf)  }
0xf6: {  	v13 =	vadd.f32 $1.000000000e+00, v13  }
0xf7: {  	v8 =	vmul.f32 $1.442695020e+00, v8  }
0xf8: {  	v14 =	vld.idx.msk [tilespmem:v26+s13+$0x0], $0xffff;
	(erf) = vrcp.f32 v13  }
0xf9: {  	v13 =	vld.idx.msk [tilespmem:v6+s13+$0x0], $0xffff;
	(erf) = vpow2.f32 v8;
	_ =	sdelay $0x4  }
0xfa: {  	v6 =	vld [tilespmem:$0x1FE90];
	v8 =	vadd.f32 v13, v14;
	_ =	sdelay $0x1  }
0xfb: {  	v8 =	vmul.f32 $5.000000000e-01, v8  }
0xfc: {  	v13 =	vpop (erf)  }
0xfd: {  	v8 =	vsub.f32 $0.0e+00, v8;
	v14 =	vpop (erf)  }
0xfe: {  	v14 =	vadd.f32 $1.000000000e+00, v14  }
0xff: {  	v8 =	vmul.f32 $1.442695020e+00, v8  }
0x100: {  	v15 =	vld.idx.msk [tilespmem:v29+s13+$0x0], $0xffff;
	(erf) = vrcp.f32 v14  }
0x101: {  	v14 =	vld.idx.msk [tilespmem:v6+s13+$0x0], $0xffff;
	(erf) = vpow2.f32 v8;
	_ =	sdelay $0x4  }
0x102: {  	v8 =	vadd.f32 v14, v15;
	_ =	sdelay $0x1  }
0x103: {  	v8 =	vmul.f32 $5.000000000e-01, v8  }
0x104: {  	v14 =	vpop (erf)  }
0x105: {  	v8 =	vsub.f32 $0.0e+00, v8;
	v15 =	vpop (erf)  }
0x106: {  	v15 =	vadd.f32 $1.000000000e+00, v15  }
0x107: {  	v8 =	vmul.f32 $1.442695020e+00, v8  }
0x108: {  	(erf) = vrcp.f32 v15  }
0x109: {  	(erf) = vpow2.f32 v8;
	_ =	sdelay $0x7  }
0x10a: {  	v16 =	vld.idx.msk [tilespmem:v33+s16+$0x0], $0xffff;
	v8 =	vpop (erf)  }
0x10b: {  	v15 =	vpop (erf)  }
0x10c: {  	v15 =	vadd.f32 $1.000000000e+00, v15;
	_ =	sdelay $0x1  }
0x10d: {  	(erf) = vrcp.f32 v15  }
0x10e: {  	v15 =	vmul.f32 v16, v5;
	_ =	sdelay $0x1  }
0x10f: {  	v16 =	vmul.f32 v15, v10  }
0x110: {  	v17 =	vld.idx.msk [tilespmem:v33+s15+$0x0], $0xffff  }
0x111: {  	[tilespmem:v2+s19+$0x0] =	vst.idx.msk $0xffff, v16;
	v2 =	vld [tilespmem:$0x1FEA0]  }
0x112: {  	v18 =	vmul.f32 v15, v12  }
0x113: {  	v16 =	vmul.f32 v13, v15  }
0x114: {  	[tilespmem:v3+s19+$0x0] =	vst.idx.msk $0xffff, v18;
	v18 =	vmul.f32 v14, v15  }
0x115: {  	[tilespmem:v4+s19+$0x0] =	vst.idx.msk $0xffff, v16;
	v16 =	vmul.f32 v8, v15;
	v19 =	vpop (erf)  }
0x116: {  	[tilespmem:v25+s19+$0x0] =	vst.idx.msk $0xffff, v18;
	v15 =	vmul.f32 v19, v15  }
0x117: {  	[tilespmem:v26+s19+$0x0] =	vst.idx.msk $0xffff, v16  }
0x118: {  	[tilespmem:v29+s19+$0x0] =	vst.idx.msk $0xffff, v15  }
0x119: {  	v15 =	vld.idx.msk [tilespmem:v2+s14+$0x0], $0xffff;
	_ =	sdelay $0x4  }
0x11a: {  	v15 =	vsub.f32 $0.0e+00, v15;
	_ =	sdelay $0x1  }
0x11b: {  	v15 =	vmul.f32 $1.442695020e+00, v15;
	_ =	sdelay $0x1  }
0x11c: {  	(erf) = vpow2.f32 v15;
	_ =	sdelay $0x8  }
0x11d: {  	v15 =	vpop (erf)  }
0x11e: {  	v15 =	vadd.f32 $1.000000000e+00, v15;
	_ =	sdelay $0x1  }
0x11f: {  	(erf) = vrcp.f32 v15;
	_ =	sdelay $0x7  }
0x120: {  	v15 =	vadd.f32 v12, v10  }
0x121: {  	v16 =	vpop (erf)  }
0x122: {  	v15 =	vadd.f32 v13, v15;
	v16 =	vmul.f32 $1.399999980e+00, v16;
	_ =	sdelay $0x1  }
0x123: {  	v2 =	vld [tilespmem:$0x1FEB0];
	v15 =	vmul.f32 v15, v17;
	v16 =	vadd.f32 $1.000000010e-01, v16;
	_ =	sdelay $0x1  }
0x124: {  	v15 =	vadd.f32 v16, v15;
	_ =	sdelay $0x1  }
0x125: {  	v15 =	vmul.f32 v15, v5;
	_ =	sdelay $0x1  }
0x126: {  	v15 =	vadd.f32 $1.000000000e+00, v15;
	_ =	sdelay $0x1  }
0x127: {  	[tilespmem:v2+s19+$0x0] =	vst.idx.msk $0xffff, v15;
	v2 =	vld [tilespmem:$0x1FEC0];
	_ =	sdelay $0x7  }
0x128: {  	v15 =	vld.idx.msk [tilespmem:v2+s14+$0x0], $0xffff;
	_ =	sdelay $0x4  }
0x129: {  	v15 =	vsub.f32 $0.0e+00, v15;
	_ =	sdelay $0x1  }
0x12a: {  	v15 =	vmul.f32 $1.442695020e+00, v15;
	_ =	sdelay $0x1  }
0x12b: {  	(erf) = vpow2.f32 v15;
	_ =	sdelay $0x8  }
0x12c: {  	v15 =	vpop (erf)  }
0x12d: {  	v15 =	vadd.f32 $1.000000000e+00, v15;
	_ =	sdelay $0x1  }
0x12e: {  	(erf) = vrcp.f32 v15;
	_ =	sdelay $0x7  }
0x12f: {  	v10 =	vadd.f32 v14, v10  }
0x130: {  	v15 =	vpop (erf)  }
0x131: {  	v10 =	vadd.f32 v8, v10;
	v15 =	vmul.f32 $1.399999980e+00, v15;
	_ =	sdelay $0x1  }
0x132: {  	v10 =	vmul.f32 v10, v17;
	v2 =	vld [tilespmem:$0x1FED0];
	v15 =	vadd.f32 $1.000000010e-01, v15;
	_ =	sdelay $0x1  }
0x133: {  	v10 =	vadd.f32 v15, v10;
	_ =	sdelay $0x1  }
0x134: {  	v10 =	vmul.f32 v10, v5;
	_ =	sdelay $0x1  }
0x135: {  	v10 =	vadd.f32 $1.000000000e+00, v10;
	_ =	sdelay $0x1  }
0x136: {  	[tilespmem:v2+s19+$0x0] =	vst.idx.msk $0xffff, v10;
	v2 =	vld [tilespmem:$0x1FEE0];
	_ =	sdelay $0x7  }
0x137: {  	v10 =	vld.idx.msk [tilespmem:v2+s14+$0x0], $0xffff;
	_ =	sdelay $0x4  }
0x138: {  	v10 =	vsub.f32 $0.0e+00, v10;
	_ =	sdelay $0x1  }
0x139: {  	v10 =	vmul.f32 $1.442695020e+00, v10;
	_ =	sdelay $0x1  }
0x13a: {  	(erf) = vpow2.f32 v10;
	_ =	sdelay $0x8  }
0x13b: {  	v10 =	vpop (erf)  }
0x13c: {  	v10 =	vadd.f32 $1.000000000e+00, v10;
	_ =	sdelay $0x1  }
0x13d: {  	(erf) = vrcp.f32 v10;
	_ =	sdelay $0x7  }
0x13e: {  	v10 =	vadd.f32 v14, v12  }
0x13f: {  	v12 =	vpop (erf)  }
0x140: {  	v10 =	vadd.f32 v19, v10;
	v12 =	vmul.f32 $1.399999980e+00, v12;
	_ =	sdelay $0x1  }
0x141: {  	v2 =	vld [tilespmem:$0x1FEF0];
	v10 =	vmul.f32 v10, v17;
	v12 =	vadd.f32 $1.000000010e-01, v12;
	_ =	sdelay $0x1  }
0x142: {  	v10 =	vadd.f32 v12, v10;
	_ =	sdelay $0x1  }
0x143: {  	v10 =	vmul.f32 v10, v5;
	_ =	sdelay $0x1  }
0x144: {  	v10 =	vadd.f32 $1.000000000e+00, v10;
	_ =	sdelay $0x1  }
0x145: {  	[tilespmem:v2+s19+$0x0] =	vst.idx.msk $0xffff, v10;
	v2 =	vld [tilespmem:$0x1FF00];
	_ =	sdelay $0x7  }
0x146: {  	v10 =	vld.idx.msk [tilespmem:v2+s14+$0x0], $0xffff;
	_ =	sdelay $0x4  }
0x147: {  	v10 =	vsub.f32 $0.0e+00, v10;
	_ =	sdelay $0x1  }
0x148: {  	v10 =	vmul.f32 $1.442695020e+00, v10;
	_ =	sdelay $0x1  }
0x149: {  	(erf) = vpow2.f32 v10;
	_ =	sdelay $0x8  }
0x14a: {  	v10 =	vpop (erf)  }
0x14b: {  	v10 =	vadd.f32 $1.000000000e+00, v10;
	_ =	sdelay $0x1  }
0x14c: {  	(erf) = vrcp.f32 v10;
	_ =	sdelay $0x7  }
0x14d: {  	v8 =	vadd.f32 v8, v13  }
0x14e: {  	v10 =	vpop (erf)  }
0x14f: {  	v8 =	vadd.f32 v19, v8;
	v10 =	vmul.f32 $1.399999980e+00, v10;
	_ =	sdelay $0x1  }
0x150: {  	v8 =	vmul.f32 v8, v17;
	v2 =	vld [tilespmem:$0x1FF10];
	v10 =	vadd.f32 $1.000000010e-01, v10;
	_ =	sdelay $0x1  }
0x151: {  	v8 =	vadd.f32 v10, v8;
	_ =	sdelay $0x1  }
0x152: {  	v8 =	vmul.f32 v8, v5;
	_ =	sdelay $0x1  }
0x153: {  	v8 =	vadd.f32 $1.000000000e+00, v8;
	_ =	sdelay $0x1  }
0x154: {  	[tilespmem:v2+s19+$0x0] =	vst.idx.msk $0xffff, v8;
	v2 =	vld [tilespmem:$0x1FF20];
	_ =	sdelay $0x6  }
0x155: {  	v8 =	vld.idx.msk [tilespmem:v42+s13+$0x0], $0xffff  }
0x156: {  	v10 =	vld.idx.msk [tilespmem:v2+s13+$0x0], $0xffff;
	_ =	sdelay $0x4  }
0x157: {  	v2 =	vld [tilespmem:$0x1FF30];
	v8 =	vadd.f32 v10, v8;
	_ =	sdelay $0x1  }
0x158: {  	v8 =	vmul.f32 $5.000000000e-01, v8;
	_ =	sdelay $0x1  }
0x159: {  	v8 =	vsub.f32 $0.0e+00, v8;
	_ =	sdelay $0x1  }
0x15a: {  	v8 =	vmul.f32 $1.442695020e+00, v8  }
0x15b: {  	v10 =	vld.idx.msk [tilespmem:v43+s13+$0x0], $0xffff  }
0x15c: {  	v12 =	vld.idx.msk [tilespmem:v2+s13+$0x0], $0xffff;
	(erf) = vpow2.f32 v8;
	_ =	sdelay $0x4  }
0x15d: {  	v2 =	vld [tilespmem:$0x1FF50];
	v8 =	vadd.f32 v12, v10;
	_ =	sdelay $0x1  }
0x15e: {  	v8 =	vmul.f32 $5.000000000e-01, v8;
	_ =	sdelay $0x1  }
0x15f: {  	v8 =	vsub.f32 $0.0e+00, v8;
	v10 =	vpop (erf)  }
0x160: {  	v10 =	vadd.f32 $1.000000000e+00, v10  }
0x161: {  	v8 =	vmul.f32 $1.442695020e+00, v8  }
0x162: {  	v12 =	vld.idx.msk [tilespmem:v44+s13+$0x0], $0xffff;
	(erf) = vrcp.f32 v10  }
0x163: {  	v10 =	vld.idx.msk [tilespmem:v2+s13+$0x0], $0xffff;
	(erf) = vpow2.f32 v8;
	_ =	sdelay $0x4  }
0x164: {  	v2 =	vld [tilespmem:$0x1FF40];
	v8 =	vadd.f32 v10, v12;
	_ =	sdelay $0x1  }
0x165: {  	v8 =	vmul.f32 $5.000000000e-01, v8  }
0x166: {  	v10 =	vpop (erf)  }
0x167: {  	v8 =	vsub.f32 $0.0e+00, v8;
	v12 =	vpop (erf)  }
0x168: {  	v12 =	vadd.f32 $1.000000000e+00, v12  }
0x169: {  	v8 =	vmul.f32 $1.442695020e+00, v8  }
0x16a: {  	v13 =	vld.idx.msk [tilespmem:v46+s13+$0x0], $0xffff;
	(erf) = vrcp.f32 v12  }
0x16b: {  	v12 =	vld.idx.msk [tilespmem:v2+s13+$0x0], $0xffff;
	(erf) = vpow2.f32 v8;
	_ =	sdelay $0x4  }
0x16c: {  	v2 =	vld [tilespmem:$0x1FF60];
	v8 =	vadd.f32 v12, v13;
	_ =	sdelay $0x1  }
0x16d: {  	v8 =	vmul.f32 $5.000000000e-01, v8  }
0x16e: {  	v12 =	vpop (erf)  }
0x16f: {  	v8 =	vsub.f32 $0.0e+00, v8;
	v13 =	vpop (erf)  }
0x170: {  	v13 =	vadd.f32 $1.000000000e+00, v13  }
0x171: {  	v8 =	vmul.f32 $1.442695020e+00, v8  }
0x172: {  	v14 =	vld.idx.msk [tilespmem:v47+s13+$0x0], $0xffff;
	(erf) = vrcp.f32 v13  }
0x173: {  	v13 =	vld.idx.msk [tilespmem:v2+s13+$0x0], $0xffff;
	(erf) = vpow2.f32 v8;
	_ =	sdelay $0x4  }
0x174: {  	v2 =	vld [tilespmem:$0x1FF70];
	v8 =	vadd.f32 v13, v14;
	_ =	sdelay $0x1  }
0x175: {  	v8 =	vmul.f32 $5.000000000e-01, v8  }
0x176: {  	v13 =	vpop (erf)  }
0x177: {  	v8 =	vsub.f32 $0.0e+00, v8;
	v14 =	vpop (erf)  }
0x178: {  	v14 =	vadd.f32 $1.000000000e+00, v14  }
0x179: {  	v8 =	vmul.f32 $1.442695020e+00, v8  }
0x17a: {  	v15 =	vld.idx.msk [tilespmem:v50+s13+$0x0], $0xffff;
	(erf) = vrcp.f32 v14  }
0x17b: {  	v14 =	vld.idx.msk [tilespmem:v2+s13+$0x0], $0xffff;
	(erf) = vpow2.f32 v8;
	_ =	sdelay $0x4  }
0x17c: {  	v8 =	vadd.f32 v14, v15;
	_ =	sdelay $0x1  }
0x17d: {  	v8 =	vmul.f32 $5.000000000e-01, v8  }
0x17e: {  	v14 =	vpop (erf)  }
0x17f: {  	v8 =	vsub.f32 $0.0e+00, v8;
	v15 =	vpop (erf)  }
0x180: {  	v15 =	vadd.f32 $1.000000000e+00, v15  }
0x181: {  	v8 =	vmul.f32 $1.442695020e+00, v8  }
0x182: {  	(erf) = vrcp.f32 v15  }
0x183: {  	(erf) = vpow2.f32 v8;
	_ =	sdelay $0x7  }
0x184: {  	v8 =	vpop (erf)  }
0x185: {  	v15 =	vpop (erf)  }
0x186: {  	v16 =	vld.idx.msk [tilespmem:v54+s16+$0x0], $0xffff;
	v15 =	vadd.f32 $1.000000000e+00, v15;
	_ =	sdelay $0x1  }
0x187: {  	(erf) = vrcp.f32 v15;
	_ =	sdelay $0x2  }
0x188: {  	v15 =	vmul.f32 v16, v5;
	_ =	sdelay $0x1  }
0x189: {  	v2 =	vld [tilespmem:$0x1FF80];
	v16 =	vmul.f32 v15, v10  }
0x18a: {  	v18 =	vmul.f32 v15, v12  }
0x18b: {  	v17 =	vld.idx.msk [tilespmem:v54+s15+$0x0], $0xffff;
	[tilespmem:v42+s19+$0x0] =	vst.idx.msk $0xffff, v16;
	v16 =	vmul.f32 v13, v15  }
0x18c: {  	[tilespmem:v43+s19+$0x0] =	vst.idx.msk $0xffff, v18;
	v18 =	vmul.f32 v14, v15  }
0x18d: {  	[tilespmem:v44+s19+$0x0] =	vst.idx.msk $0xffff, v16;
	v16 =	vmul.f32 v8, v15;
	v19 =	vpop (erf)  }
0x18e: {  	[tilespmem:v46+s19+$0x0] =	vst.idx.msk $0xffff, v18;
	v15 =	vmul.f32 v19, v15  }
0x18f: {  	[tilespmem:v47+s19+$0x0] =	vst.idx.msk $0xffff, v16  }
0x190: {  	[tilespmem:v50+s19+$0x0] =	vst.idx.msk $0xffff, v15  }
0x191: {  	v15 =	vld.idx.msk [tilespmem:v2+s14+$0x0], $0xffff;
	_ =	sdelay $0x4  }
0x192: {  	v15 =	vsub.f32 $0.0e+00, v15;
	_ =	sdelay $0x1  }
0x193: {  	v15 =	vmul.f32 $1.442695020e+00, v15;
	_ =	sdelay $0x1  }
0x194: {  	(erf) = vpow2.f32 v15;
	_ =	sdelay $0x8  }
0x195: {  	v15 =	vpop (erf)  }
0x196: {  	v15 =	vadd.f32 $1.000000000e+00, v15;
	_ =	sdelay $0x1  }
0x197: {  	(erf) = vrcp.f32 v15;
	_ =	sdelay $0x7  }
0x198: {  	v15 =	vadd.f32 v12, v10  }
0x199: {  	v16 =	vpop (erf)  }
0x19a: {  	v15 =	vadd.f32 v13, v15;
	v16 =	vmul.f32 $1.399999980e+00, v16;
	_ =	sdelay $0x1  }
0x19b: {  	v2 =	vld [tilespmem:$0x1FF90];
	v15 =	vmul.f32 v15, v17;
	v16 =	vadd.f32 $1.000000010e-01, v16;
	_ =	sdelay $0x1  }
0x19c: {  	v15 =	vadd.f32 v16, v15;
	_ =	sdelay $0x1  }
0x19d: {  	v15 =	vmul.f32 v15, v5;
	_ =	sdelay $0x1  }
0x19e: {  	v15 =	vadd.f32 $1.000000000e+00, v15;
	_ =	sdelay $0x1  }
0x19f: {  	[tilespmem:v2+s19+$0x0] =	vst.idx.msk $0xffff, v15;
	v2 =	vld [tilespmem:$0x1FFA0];
	_ =	sdelay $0x7  }
0x1a0: {  	v15 =	vld.idx.msk [tilespmem:v2+s14+$0x0], $0xffff;
	_ =	sdelay $0x4  }
0x1a1: {  	v15 =	vsub.f32 $0.0e+00, v15;
	_ =	sdelay $0x1  }
0x1a2: {  	v15 =	vmul.f32 $1.442695020e+00, v15;
	_ =	sdelay $0x1  }
0x1a3: {  	(erf) = vpow2.f32 v15;
	_ =	sdelay $0x8  }
0x1a4: {  	v15 =	vpop (erf)  }
0x1a5: {  	v15 =	vadd.f32 $1.000000000e+00, v15;
	_ =	sdelay $0x1  }
0x1a6: {  	(erf) = vrcp.f32 v15;
	_ =	sdelay $0x7  }
0x1a7: {  	v10 =	vadd.f32 v14, v10  }
0x1a8: {  	v15 =	vpop (erf)  }
0x1a9: {  	v10 =	vadd.f32 v8, v10;
	v15 =	vmul.f32 $1.399999980e+00, v15;
	_ =	sdelay $0x1  }
0x1aa: {  	v10 =	vmul.f32 v10, v17;
	v2 =	vld [tilespmem:$0x1FFB0];
	v15 =	vadd.f32 $1.000000010e-01, v15;
	_ =	sdelay $0x1  }
0x1ab: {  	v10 =	vadd.f32 v15, v10;
	_ =	sdelay $0x1  }
0x1ac: {  	v10 =	vmul.f32 v10, v5;
	_ =	sdelay $0x1  }
0x1ad: {  	v10 =	vadd.f32 $1.000000000e+00, v10;
	_ =	sdelay $0x1  }
0x1ae: {  	[tilespmem:v2+s19+$0x0] =	vst.idx.msk $0xffff, v10;
	v2 =	vld [tilespmem:$0x1FFC0];
	_ =	sdelay $0x7  }
0x1af: {  	v10 =	vld.idx.msk [tilespmem:v2+s14+$0x0], $0xffff;
	_ =	sdelay $0x4  }
0x1b0: {  	v10 =	vsub.f32 $0.0e+00, v10;
	_ =	sdelay $0x1  }
0x1b1: {  	v10 =	vmul.f32 $1.442695020e+00, v10;
	_ =	sdelay $0x1  }
0x1b2: {  	(erf) = vpow2.f32 v10;
	_ =	sdelay $0x8  }
0x1b3: {  	v10 =	vpop (erf)  }
0x1b4: {  	v10 =	vadd.f32 $1.000000000e+00, v10;
	_ =	sdelay $0x1  }
0x1b5: {  	(erf) = vrcp.f32 v10;
	_ =	sdelay $0x7  }
0x1b6: {  	v10 =	vadd.f32 v14, v12  }
0x1b7: {  	v12 =	vpop (erf)  }
0x1b8: {  	v10 =	vadd.f32 v19, v10;
	v12 =	vmul.f32 $1.399999980e+00, v12;
	_ =	sdelay $0x1  }
0x1b9: {  	v2 =	vld [tilespmem:$0x1FFD0];
	v10 =	vmul.f32 v10, v17;
	v12 =	vadd.f32 $1.000000010e-01, v12;
	_ =	sdelay $0x1  }
0x1ba: {  	v10 =	vadd.f32 v12, v10;
	_ =	sdelay $0x1  }
0x1bb: {  	v10 =	vmul.f32 v10, v5;
	_ =	sdelay $0x1  }
0x1bc: {  	v10 =	vadd.f32 $1.000000000e+00, v10;
	_ =	sdelay $0x1  }
0x1bd: {  	[tilespmem:v2+s19+$0x0] =	vst.idx.msk $0xffff, v10;
	v2 =	vld [tilespmem:$0x1FFE0];
	_ =	sdelay $0x7  }
0x1be: {  	v10 =	vld.idx.msk [tilespmem:v2+s14+$0x0], $0xffff;
	_ =	sdelay $0x4  }
0x1bf: {  	v10 =	vsub.f32 $0.0e+00, v10;
	_ =	sdelay $0x1  }
0x1c0: {  	v10 =	vmul.f32 $1.442695020e+00, v10;
	_ =	sdelay $0x1  }
0x1c1: {  	(erf) = vpow2.f32 v10;
	_ =	sdelay $0x8  }
0x1c2: {  	v10 =	vpop (erf)  }
0x1c3: {  	v10 =	vadd.f32 $1.000000000e+00, v10;
	_ =	sdelay $0x1  }
0x1c4: {  	(erf) = vrcp.f32 v10;
	_ =	sdelay $0x7  }
0x1c5: {  	v8 =	vadd.f32 v8, v13  }
0x1c6: {  	v10 =	vpop (erf)  }
0x1c7: {  	v8 =	vadd.f32 v19, v8;
	v10 =	vmul.f32 $1.399999980e+00, v10;
	_ =	sdelay $0x1  }
0x1c8: {  	v8 =	vmul.f32 v8, v17;
	v2 =	vld [tilespmem:$0x1FFF0];
	v10 =	vadd.f32 $1.000000010e-01, v10;
	_ =	sdelay $0x1  }
0x1c9: {  	v8 =	vadd.f32 v10, v8;
	_ =	sdelay $0x1  }
0x1ca: {  	v8 =	vmul.f32 v8, v5  }
0x1cb: {  	v10 =	vor.u32 $0x304, v1  }
0x1cc: {  	v8 =	vadd.f32 $1.000000000e+00, v8;
	_ =	sdelay $0x1  }
0x1cd: {  	[tilespmem:v2+s19+$0x0] =	vst.idx.msk $0xffff, v8  }
0x1ce: {  	v8 =	vld.idx.msk [tilespmem:v63+s13+$0x0], $0xffff  }
0x1cf: {  	v10 =	vld.idx.msk [tilespmem:v10+s13+$0x0], $0xffff;
	_ =	sdelay $0x4  }
0x1d0: {  	v8 =	vadd.f32 v10, v8;
	_ =	sdelay $0x1  }
0x1d1: {  	v12 =	vor.u32 $0x308, v1;
	v8 =	vmul.f32 $5.000000000e-01, v8  }
0x1d2: {  	v10 =	vor.u32 $0x302, v1  }
0x1d3: {  	v8 =	vsub.f32 $0.0e+00, v8;
	_ =	sdelay $0x1  }
0x1d4: {  	v8 =	vmul.f32 $1.442695020e+00, v8  }
0x1d5: {  	v12 =	vld.idx.msk [tilespmem:v12+s13+$0x0], $0xffff  }
0x1d6: {  	v13 =	vld.idx.msk [tilespmem:v10+s13+$0x0], $0xffff;
	(erf) = vpow2.f32 v8;
	_ =	sdelay $0x4  }
0x1d7: {  	v8 =	vadd.f32 v12, v13;
	_ =	sdelay $0x1  }
0x1d8: {  	v12 =	vor.u32 $0x303, v1;
	v8 =	vmul.f32 $5.000000000e-01, v8  }
0x1d9: {  	v13 =	vor.u32 $0x30C, v1  }
0x1da: {  	v8 =	vsub.f32 $0.0e+00, v8;
	v14 =	vpop (erf)  }
0x1db: {  	v14 =	vadd.f32 $1.000000000e+00, v14  }
0x1dc: {  	v8 =	vmul.f32 $1.442695020e+00, v8  }
0x1dd: {  	v15 =	vld.idx.msk [tilespmem:v12+s13+$0x0], $0xffff;
	(erf) = vrcp.f32 v14  }
0x1de: {  	v13 =	vld.idx.msk [tilespmem:v13+s13+$0x0], $0xffff;
	(erf) = vpow2.f32 v8;
	_ =	sdelay $0x4  }
0x1df: {  	v8 =	vadd.f32 v13, v15;
	_ =	sdelay $0x1  }
0x1e0: {  	v14 =	vor.u32 $0x309, v1;
	v8 =	vmul.f32 $5.000000000e-01, v8  }
0x1e1: {  	v13 =	vor.u32 $0x306, v1;
	v15 =	vpop (erf)  }
0x1e2: {  	v8 =	vsub.f32 $0.0e+00, v8;
	v16 =	vpop (erf)  }
0x1e3: {  	v16 =	vadd.f32 $1.000000000e+00, v16  }
0x1e4: {  	v8 =	vmul.f32 $1.442695020e+00, v8  }
0x1e5: {  	v14 =	vld.idx.msk [tilespmem:v14+s13+$0x0], $0xffff;
	(erf) = vrcp.f32 v16  }
0x1e6: {  	v17 =	vld.idx.msk [tilespmem:v13+s13+$0x0], $0xffff;
	(erf) = vpow2.f32 v8;
	_ =	sdelay $0x4  }
0x1e7: {  	v8 =	vadd.f32 v14, v17;
	_ =	sdelay $0x1  }
0x1e8: {  	v16 =	vor.u32 $0x30D, v1;
	v8 =	vmul.f32 $5.000000000e-01, v8  }
0x1e9: {  	v14 =	vor.u32 $0x307, v1;
	v17 =	vpop (erf)  }
0x1ea: {  	v8 =	vsub.f32 $0.0e+00, v8;
	v18 =	vpop (erf)  }
0x1eb: {  	v18 =	vadd.f32 $1.000000000e+00, v18  }
0x1ec: {  	v8 =	vmul.f32 $1.442695020e+00, v8  }
0x1ed: {  	v16 =	vld.idx.msk [tilespmem:v16+s13+$0x0], $0xffff;
	(erf) = vrcp.f32 v18  }
0x1ee: {  	v19 =	vld.idx.msk [tilespmem:v14+s13+$0x0], $0xffff;
	(erf) = vpow2.f32 v8;
	_ =	sdelay $0x4  }
0x1ef: {  	v8 =	vadd.f32 v16, v19;
	_ =	sdelay $0x1  }
0x1f0: {  	v18 =	vor.u32 $0x30E, v1;
	v8 =	vmul.f32 $5.000000000e-01, v8  }
0x1f1: {  	v16 =	vor.u32 $0x30B, v1;
	v19 =	vpop (erf)  }
0x1f2: {  	v8 =	vsub.f32 $0.0e+00, v8;
	v20 =	vpop (erf)  }
0x1f3: {  	v20 =	vadd.f32 $1.000000000e+00, v20  }
0x1f4: {  	v8 =	vmul.f32 $1.442695020e+00, v8  }
0x1f5: {  	v18 =	vld.idx.msk [tilespmem:v18+s13+$0x0], $0xffff;
	(erf) = vrcp.f32 v20  }
0x1f6: {  	v24 =	vld.idx.msk [tilespmem:v16+s13+$0x0], $0xffff;
	(erf) = vpow2.f32 v8;
	_ =	sdelay $0x4  }
0x1f7: {  	v8 =	vadd.f32 v18, v24;
	_ =	sdelay $0x1  }
0x1f8: {  	v8 =	vmul.f32 $5.000000000e-01, v8  }
0x1f9: {  	v18 =	vpop (erf)  }
0x1fa: {  	v8 =	vsub.f32 $0.0e+00, v8;
	v20 =	vpop (erf)  }
0x1fb: {  	v20 =	vadd.f32 $1.000000000e+00, v20  }
0x1fc: {  	v8 =	vmul.f32 $1.442695020e+00, v8  }
0x1fd: {  	(erf) = vrcp.f32 v20  }
0x1fe: {  	(erf) = vpow2.f32 v8;
	_ =	sdelay $0x4  }
0x1ff: {  	v8 =	vor.u32 $0x30, v0;
	_ =	sdelay $0x2  }
0x200: {  	v20 =	vpop (erf)  }
0x201: {  	v24 =	vpop (erf)  }
0x202: {  	v27 =	vld.idx.msk [tilespmem:v8+s16+$0x0], $0xffff;
	v24 =	vadd.f32 $1.000000000e+00, v24;
	_ =	sdelay $0x1  }
0x203: {  	(erf) = vrcp.f32 v24;
	_ =	sdelay $0x2  }
0x204: {  	v24 =	vmul.f32 v27, v5;
	_ =	sdelay $0x1  }
0x205: {  	v27 =	vmul.f32 v24, v15  }
0x206: {  	v28 =	vmul.f32 v24, v17  }
0x207: {  	v8 =	vld.idx.msk [tilespmem:v8+s15+$0x0], $0xffff;
	[tilespmem:v63+s19+$0x0] =	vst.idx.msk $0xffff, v27;
	v27 =	vmul.f32 v19, v24  }
0x208: {  	[tilespmem:v10+s19+$0x0] =	vst.idx.msk $0xffff, v28;
	v10 =	vmul.f32 v18, v24;
	v28 =	vor.u32 $0xC0, v9  }
0x209: {  	[tilespmem:v12+s19+$0x0] =	vst.idx.msk $0xffff, v27;
	v12 =	vmul.f32 v20, v24;
	v30 =	vpop (erf)  }
0x20a: {  	[tilespmem:v13+s19+$0x0] =	vst.idx.msk $0xffff, v10;
	v10 =	vmul.f32 v30, v24  }
0x20b: {  	[tilespmem:v14+s19+$0x0] =	vst.idx.msk $0xffff, v12  }
0x20c: {  	[tilespmem:v16+s19+$0x0] =	vst.idx.msk $0xffff, v10  }
0x20d: {  	v10 =	vld.idx.msk [tilespmem:v28+s14+$0x0], $0xffff;
	_ =	sdelay $0x4  }
0x20e: {  	v10 =	vsub.f32 $0.0e+00, v10;
	_ =	sdelay $0x1  }
0x20f: {  	v10 =	vmul.f32 $1.442695020e+00, v10;
	_ =	sdelay $0x1  }
0x210: {  	(erf) = vpow2.f32 v10;
	_ =	sdelay $0x8  }
0x211: {  	v10 =	vpop (erf)  }
0x212: {  	v10 =	vadd.f32 $1.000000000e+00, v10;
	_ =	sdelay $0x1  }
0x213: {  	(erf) = vrcp.f32 v10;
	_ =	sdelay $0x7  }
0x214: {  	v10 =	vadd.f32 v17, v15  }
0x215: {  	v12 =	vpop (erf)  }
0x216: {  	v10 =	vadd.f32 v19, v10;
	v12 =	vmul.f32 $1.399999980e+00, v12;
	_ =	sdelay $0x1  }
0x217: {  	v10 =	vmul.f32 v10, v8;
	v12 =	vadd.f32 $1.000000010e-01, v12;
	_ =	sdelay $0x1  }
0x218: {  	v10 =	vadd.f32 v12, v10  }
0x219: {  	v12 =	vor.u32 $0x300, v1  }
0x21a: {  	v13 =	vor.u32 $0xC1, v9;
	v10 =	vmul.f32 v10, v5;
	_ =	sdelay $0x1  }
0x21b: {  	v10 =	vadd.f32 $1.000000000e+00, v10;
	_ =	sdelay $0x1  }
0x21c: {  	[tilespmem:v12+s19+$0x0] =	vst.idx.msk $0xffff, v10  }
0x21d: {  	v10 =	vld.idx.msk [tilespmem:v13+s14+$0x0], $0xffff;
	_ =	sdelay $0x4  }
0x21e: {  	v10 =	vsub.f32 $0.0e+00, v10;
	_ =	sdelay $0x1  }
0x21f: {  	v10 =	vmul.f32 $1.442695020e+00, v10;
	_ =	sdelay $0x1  }
0x220: {  	(erf) = vpow2.f32 v10;
	_ =	sdelay $0x8  }
0x221: {  	v10 =	vpop (erf)  }
0x222: {  	v10 =	vadd.f32 $1.000000000e+00, v10;
	_ =	sdelay $0x1  }
0x223: {  	(erf) = vrcp.f32 v10;
	_ =	sdelay $0x7  }
0x224: {  	v10 =	vadd.f32 v18, v15  }
0x225: {  	v12 =	vpop (erf)  }
0x226: {  	v10 =	vadd.f32 v20, v10;
	v12 =	vmul.f32 $1.399999980e+00, v12;
	_ =	sdelay $0x1  }
0x227: {  	v10 =	vmul.f32 v10, v8;
	v12 =	vadd.f32 $1.000000010e-01, v12;
	_ =	sdelay $0x1  }
0x228: {  	v10 =	vadd.f32 v12, v10  }
0x229: {  	v12 =	vor.u32 $0x305, v1  }
0x22a: {  	v13 =	vor.u32 $0xC2, v9;
	v10 =	vmul.f32 v10, v5;
	_ =	sdelay $0x1  }
0x22b: {  	v10 =	vadd.f32 $1.000000000e+00, v10;
	_ =	sdelay $0x1  }
0x22c: {  	[tilespmem:v12+s19+$0x0] =	vst.idx.msk $0xffff, v10  }
0x22d: {  	v10 =	vld.idx.msk [tilespmem:v13+s14+$0x0], $0xffff;
	_ =	sdelay $0x4  }
0x22e: {  	v10 =	vsub.f32 $0.0e+00, v10;
	_ =	sdelay $0x1  }
0x22f: {  	v10 =	vmul.f32 $1.442695020e+00, v10;
	_ =	sdelay $0x1  }
0x230: {  	(erf) = vpow2.f32 v10;
	_ =	sdelay $0x8  }
0x231: {  	v10 =	vpop (erf)  }
0x232: {  	v10 =	vadd.f32 $1.000000000e+00, v10;
	_ =	sdelay $0x1  }
0x233: {  	(erf) = vrcp.f32 v10;
	_ =	sdelay $0x7  }
0x234: {  	v10 =	vadd.f32 v18, v17  }
0x235: {  	v12 =	vpop (erf)  }
0x236: {  	v10 =	vadd.f32 v30, v10;
	v12 =	vmul.f32 $1.399999980e+00, v12;
	_ =	sdelay $0x1  }
0x237: {  	v10 =	vmul.f32 v10, v8;
	v12 =	vadd.f32 $1.000000010e-01, v12;
	_ =	sdelay $0x1  }
0x238: {  	v10 =	vadd.f32 v12, v10  }
0x239: {  	v12 =	vor.u32 $0x30A, v1  }
0x23a: {  	v13 =	vor.u32 $0xC3, v9;
	v10 =	vmul.f32 v10, v5;
	_ =	sdelay $0x1  }
0x23b: {  	v10 =	vadd.f32 $1.000000000e+00, v10;
	_ =	sdelay $0x1  }
0x23c: {  	[tilespmem:v12+s19+$0x0] =	vst.idx.msk $0xffff, v10  }
0x23d: {  	v10 =	vld.idx.msk [tilespmem:v13+s14+$0x0], $0xffff;
	_ =	sdelay $0x4  }
0x23e: {  	v10 =	vsub.f32 $0.0e+00, v10;
	_ =	sdelay $0x1  }
0x23f: {  	v10 =	vmul.f32 $1.442695020e+00, v10;
	_ =	sdelay $0x1  }
0x240: {  	(erf) = vpow2.f32 v10;
	_ =	sdelay $0x8  }
0x241: {  	v10 =	vpop (erf)  }
0x242: {  	v10 =	vadd.f32 $1.000000000e+00, v10;
	_ =	sdelay $0x1  }
0x243: {  	(erf) = vrcp.f32 v10;
	_ =	sdelay $0x7  }
0x244: {  	v10 =	vadd.f32 v20, v19  }
0x245: {  	v12 =	vpop (erf)  }
0x246: {  	v10 =	vadd.f32 v30, v10;
	v12 =	vmul.f32 $1.399999980e+00, v12;
	_ =	sdelay $0x1  }
0x247: {  	v8 =	vmul.f32 v10, v8;
	v12 =	vadd.f32 $1.000000010e-01, v12;
	_ =	sdelay $0x1  }
0x248: {  	v8 =	vadd.f32 v12, v8  }
0x249: {  	v10 =	vor.u32 $0x30F, v1  }
0x24a: {  	v8 =	vmul.f32 v8, v5;
	_ =	sdelay $0x1  }
0x24b: {  	v8 =	vadd.f32 $1.000000000e+00, v8  }
0x24c: {  	s23 =	simm.s32 $0x10  }
0x24d: {  	s24 =	simm.s32 $0x1010;
	[tilespmem:v10+s19+$0x0] =	vst.idx.msk $0xffff, v8;
	v8 =	vmov s23  }
0x24e: {  	v13 =	vld [tilespmem:s24+$0x0];
	v8 =	vshll.u32 v8, $0x2  }
0x24f: {  	v10 =	vor.u32 v9, v8  }
0x250: {  	v17 =	vor.u32 $0x2, v10  }
0x251: {  	v14 =	vor.u32 $0x3, v10  }
0x252: {  	v12 =	vor.u32 $0x1, v10  }
0x253: {  	v8 =	vld [tilespmem:s24+$0xFFFFFFF0];
	v18 =	vshll.u32 v13, $0x4  }
0x254: {  	v19 =	vld.idx.msk [tilespmem:v10+s3+$0x0], $0xffff;
	v20 =	vor.u32 $0xB, v18  }
0x255: {  	v27 =	vor.u32 $0x1, v18;
	v24 =	vld.idx.msk [tilespmem:v17+s3+$0x0], $0xffff  }
0x256: {  	s29 =	simm.s32 $0x0;
	v30 =	vor.u32 $0x3, v18;
	v28 =	vld.idx.msk [tilespmem:v14+s3+$0x0], $0xffff  }
0x257: {  	v13 =	vmov s29;
	v34 =	vor.u32 $0x7, v18;
	v32 =	vld.idx.msk [tilespmem:v12+s3+$0x0], $0xffff  }
0x258: {  	v13 =	vshll.u32 v13, $0x2;
	v36 =	vor.u32 $0x5, v18;
	v37 =	vshll.u32 v8, $0x4;
	v35 =	vld.idx.msk [tilespmem:v18+s19+$0x0], $0xffff  }
0x259: {  	v38 =	vor.u32 $0x2, v18;
	v39 =	vor.u32 $0x6, v18;
	v16 =	vor.u32 v9, v13;
	v20 =	vld.idx.msk [tilespmem:v20+s19+$0x0], $0xffff  }
0x25a: {  	v48 =	vor.u32 $0xA, v18;
	v40 =	vor.u32 $0x1, v37;
	v31 =	vand.u32 $0xFBC, v16;
	v27 =	vld.idx.msk [tilespmem:v27+s19+$0x0], $0xffff  }
0x25b: {  	v15 =	vor.u32 $0x1, v31;
	v13 =	vor.u32 $0x2, v31;
	v30 =	vld.idx.msk [tilespmem:v30+s19+$0x0], $0xffff;
	v45 =	vmul.f32 v19, v19  }
0x25c: {  	v8 =	vor.u32 $0x3, v31;
	v34 =	vld.idx.msk [tilespmem:v34+s19+$0x0], $0xffff;
	v49 =	vmul.f32 v32, v32;
	v51 =	vmul.f32 v24, v24  }
0x25d: {  	v31 =	vor.u32 $0x5, v37;
	v36 =	vld.idx.msk [tilespmem:v36+s19+$0x0], $0xffff;
	v53 =	vmul.f32 v28, v28;
	v45 =	vmul.f32 v45, v19  }
0x25e: {  	v18 =	vor.u32 $0xF, v18;
	v38 =	vld.idx.msk [tilespmem:v38+s19+$0x0], $0xffff;
	v49 =	vmul.f32 v49, v32;
	v51 =	vmul.f32 v51, v24  }
0x25f: {  	v55 =	vor.u32 $0x6, v37;
	v39 =	vld.idx.msk [tilespmem:v39+s19+$0x0], $0xffff;
	v53 =	vmul.f32 v53, v28;
	v35 =	vmul.f32 v35, v19  }
0x260: {  	v48 =	vld.idx.msk [tilespmem:v48+s19+$0x0], $0xffff;
	v45 =	vmul.f32 v45, v5;
	v57 =	vmul.f32 v30, v28  }
0x261: {  	v41 =	vor.u32 $0x2, v37;
	v40 =	vld.idx.msk [tilespmem:v40+s19+$0x0], $0xffff;
	v59 =	vmul.f32 v34, v28;
	v60 =	vmul.f32 v27, v32  }
0x262: {  	v52 =	vor.u32 $0x3, v37;
	v31 =	vld.idx.msk [tilespmem:v31+s19+$0x0], $0xffff;
	v27 =	vmul.f32 v27, v19;
	v36 =	vmul.f32 v36, v32  }
0x263: {  	v56 =	vor.u32 $0x7, v37;
	v18 =	vld.idx.msk [tilespmem:v18+s19+$0x0], $0xffff;
	v22 =	vmul.f32 v38, v24;
	v38 =	vmul.f32 v38, v19  }
0x264: {  	v58 =	vor.u32 $0xA, v37;
	v23 =	vmul.f32 v39, v32;
	v32 =	vmul.f32 v34, v32;
	v34 =	vld.idx.msk [tilespmem:v55+s19+$0x0], $0xffff  }
0x265: {  	v61 =	vor.u32 $0xB, v37;
	v19 =	vmul.f32 v30, v19;
	v55 =	vmul.f32 v48, v24;
	v48 =	vld.idx.msk [tilespmem:v15+s3+$0x0], $0xffff  }
0x266: {  	v41 =	vld.idx.msk [tilespmem:v41+s19+$0x0], $0xffff;
	v30 =	vor.u32 $0xF, v37;
	v35 =	vadd.f32 v60, v35;
	v27 =	vadd.f32 v27, v36  }
0x267: {  	v39 =	vmul.f32 v39, v24;
	v36 =	vadd.f32 v23, v38;
	v19 =	vadd.f32 v32, v19;
	v32 =	vld.idx.msk [tilespmem:v16+s3+$0x0], $0xffff  }
0x268: {  	v24 =	vmul.f32 v20, v24;
	v20 =	vmul.f32 v20, v28;
	v38 =	vld.idx.msk [tilespmem:v56+s19+$0x0], $0xffff;
	v35 =	vadd.f32 v22, v35  }
0x269: {  	v60 =	vmul.f32 v53, v5;
	v53 =	vld.idx.msk [tilespmem:v8+s3+$0x0], $0xffff;
	v27 =	vadd.f32 v39, v27;
	v36 =	vadd.f32 v36, v55  }
0x26a: {  	v19 =	vadd.f32 v24, v19;
	v18 =	vmul.f32 v18, v28;
	v31 =	vmul.f32 v31, v48  }
0x26b: {  	v52 =	vld.idx.msk [tilespmem:v52+s19+$0x0], $0xffff;
	v35 =	vadd.f32 v57, v35;
	v27 =	vadd.f32 v59, v27;
	v57 =	vmul.f32 v49, v5  }
0x26c: {  	v62 =	vld.idx.msk [tilespmem:v58+s19+$0x0], $0xffff;
	v59 =	vmul.f32 v51, v5;
	v18 =	vadd.f32 v19, v18;
	v19 =	vmul.f32 v40, v48  }
0x26d: {  	v24 =	vld.idx.msk [tilespmem:v37+s19+$0x0], $0xffff;
	v20 =	vadd.f32 v20, v36;
	v22 =	vmul.f32 v40, v32;
	v23 =	vmul.f32 v41, v32  }
0x26e: {  	v30 =	vld.idx.msk [tilespmem:v30+s19+$0x0], $0xffff;
	v58 =	vmul.f32 v38, v48;
	v56 =	vmul.f32 v53, v53;
	v28 =	vsub.f32 v35, v45  }
0x26f: {  	v36 =	vld.idx.msk [tilespmem:v13+s3+$0x0], $0xffff;
	v38 =	vmul.f32 v38, v53;
	v27 =	vsub.f32 v27, v57;
	v20 =	vsub.f32 v20, v59  }
0x270: {  	s30 =	simm.s32 $0x30;
	s23 =	simm.s32 $0x1030;
	v45 =	vld.idx.msk [tilespmem:v61+s19+$0x0], $0xffff;
	v37 =	vsub.f32 v18, v60;
	v18 =	vmul.f32 v34, v48;
	v57 =	vmul.f32 v52, v32  }
0x271: {  	v59 =	vld [tilespmem:s23+$0x0];
	v60 =	vmov s30;
	v61 =	vmul.f32 v48, v48;
	v52 =	vmul.f32 v52, v53  }
0x272: {  	v24 =	vmul.f32 v24, v32;
	v31 =	vadd.f32 v22, v31;
	v40 =	vadd.f32 v18, v23  }
0x273: {  	v18 =	vshll.u32 v60, $0x2;
	v35 =	vadd.f32 v58, v57;
	v58 =	vmul.f32 v32, v32;
	[tilespmem:v10+s20+$0x0] =	vst.idx.msk $0xffff, v28  }
0x274: {  	v28 =	vmul.f32 v56, v53;
	v30 =	vmul.f32 v30, v53;
	v39 =	vor.u32 v9, v18  }
0x275: {  	v41 =	vmul.f32 v41, v36;
	v19 =	vadd.f32 v19, v24;
	v18 =	vor.u32 $0x1, v39  }
0x276: {  	v34 =	vmul.f32 v34, v36;
	v24 =	vmul.f32 v62, v36;
	v51 =	vshll.u32 v59, $0x4  }
0x277: {  	v21 =	vmul.f32 v36, v36;
	v41 =	vadd.f32 v41, v19;
	v19 =	vor.u32 $0x2, v39  }
0x278: {  	v22 =	vld [tilespmem:s23+$0xFFFFFFF0];
	[tilespmem:v12+s20+$0x0] =	vst.idx.msk $0xffff, v27;
	v27 =	vmul.f32 v58, v32;
	v28 =	vmul.f32 v28, v5;
	v59 =	vor.u32 $0x3, v39  }
0x279: {  	v31 =	vadd.f32 v34, v31;
	v34 =	vmul.f32 v61, v48;
	v57 =	vor.u32 $0x1, v51;
	v48 =	vld.idx.msk [tilespmem:v39+s3+$0x0], $0xffff  }
0x27a: {  	s31 =	simm.s32 $0x20;
	v62 =	vmul.f32 v45, v36;
	v24 =	vadd.f32 v40, v24;
	v23 =	vor.u32 $0x2, v51;
	v60 =	vld.idx.msk [tilespmem:v18+s3+$0x0], $0xffff  }
0x27b: {  	v36 =	vmul.f32 v21, v36;
	v21 =	vmov s31;
	v55 =	vor.u32 $0x3, v51;
	v56 =	vld.idx.msk [tilespmem:v51+s19+$0x0], $0xffff  }
0x27c: {  	[tilespmem:v17+s20+$0x0] =	vst.idx.msk $0xffff, v20;
	v45 =	vmul.f32 v45, v53;
	v10 =	vshll.u32 v21, $0x2;
	v32 =	vor.u32 $0x5, v51;
	v53 =	vld.idx.msk [tilespmem:v19+s3+$0x0], $0xffff  }
0x27d: {  	[tilespmem:v14+s20+$0x0] =	vst.idx.msk $0xffff, v37;
	v17 =	vshll.u32 v22, $0x4;
	v14 =	vor.u32 $0x7, v51;
	v22 =	vadd.f32 v52, v41;
	v41 =	vld.idx.msk [tilespmem:v59+s3+$0x0], $0xffff  }
0x27e: {  	v27 =	vmul.f32 v27, v5;
	v31 =	vadd.f32 v38, v31;
	v38 =	vor.u32 $0x6, v51;
	v57 =	vld.idx.msk [tilespmem:v57+s19+$0x0], $0xffff  }
0x27f: {  	v20 =	vor.u32 $0xB, v51;
	v35 =	vadd.f32 v62, v35;
	v10 =	vor.u32 v9, v10;
	v49 =	vld.idx.msk [tilespmem:v23+s19+$0x0], $0xffff  }
0x280: {  	v24 =	vadd.f32 v45, v24;
	v34 =	vmul.f32 v34, v5;
	v27 =	vsub.f32 v22, v27;
	v52 =	vld.idx.msk [tilespmem:v55+s19+$0x0], $0xffff  }
0x281: {  	v61 =	vand.u32 $0xFBC, v10;
	v35 =	vadd.f32 v35, v30;
	v30 =	vor.u32 $0x2, v17;
	v32 =	vld.idx.msk [tilespmem:v32+s19+$0x0], $0xffff  }
0x282: {  	[tilespmem:v16+s20+$0x0] =	vst.idx.msk $0xffff, v27;
	v16 =	vmul.f32 v36, v5;
	v27 =	vsub.f32 v31, v34;
	v14 =	vld.idx.msk [tilespmem:v14+s19+$0x0], $0xffff  }
0x283: {  	v12 =	vor.u32 $0x1, v61;
	v31 =	vor.u32 $0xA, v51;
	v34 =	vld.idx.msk [tilespmem:v38+s19+$0x0], $0xffff;
	v62 =	vmul.f32 v48, v48  }
0x284: {  	[tilespmem:v15+s20+$0x0] =	vst.idx.msk $0xffff, v27;
	v15 =	vsub.f32 v24, v16;
	v16 =	vor.u32 $0x5, v17;
	v23 =	vmul.f32 v56, v48  }
0x285: {  	v20 =	vld.idx.msk [tilespmem:v20+s19+$0x0], $0xffff;
	v24 =	vor.u32 $0xF, v51;
	v58 =	vmul.f32 v57, v60;
	v22 =	vmul.f32 v49, v53  }
0x286: {  	[tilespmem:v13+s20+$0x0] =	vst.idx.msk $0xffff, v15;
	v13 =	vor.u32 $0x1, v17;
	v56 =	vmul.f32 v52, v41;
	v15 =	vmul.f32 v57, v48  }
0x287: {  	v45 =	vld.idx.msk [tilespmem:v30+s19+$0x0], $0xffff;
	v32 =	vmul.f32 v32, v60;
	v30 =	vmul.f32 v14, v41;
	v21 =	vadd.f32 v58, v23  }
0x288: {  	v31 =	vld.idx.msk [tilespmem:v31+s19+$0x0], $0xffff;
	v57 =	vor.u32 $0x7, v17;
	v23 =	vmul.f32 v62, v48;
	v58 =	vmul.f32 v60, v60  }
0x289: {  	v62 =	vmul.f32 v34, v53;
	v34 =	vmul.f32 v34, v60;
	v55 =	vadd.f32 v22, v21  }
0x28a: {  	v15 =	vadd.f32 v15, v32;
	v36 =	vmul.f32 v23, v5;
	v37 =	vmul.f32 v58, v60  }
0x28b: {  	v24 =	vld.idx.msk [tilespmem:v24+s19+$0x0], $0xffff;
	v22 =	vmul.f32 v49, v48;
	v23 =	vmul.f32 v52, v48;
	v27 =	vadd.f32 v56, v55  }
0x28c: {  	v52 =	vmul.f32 v14, v60;
	v32 =	vadd.f32 v62, v15;
	v60 =	vmul.f32 v20, v53  }
0x28d: {  	v48 =	vld.idx.msk [tilespmem:v13+s19+$0x0], $0xffff;
	v20 =	vmul.f32 v20, v41;
	v13 =	vmul.f32 v31, v53;
	v27 =	vsub.f32 v27, v36  }
0x28e: {  	v16 =	vld.idx.msk [tilespmem:v16+s19+$0x0], $0xffff;
	v21 =	vor.u32 $0x3, v17;
	v55 =	vmul.f32 v53, v53;
	v56 =	vmul.f32 v41, v41  }
0x28f: {  	v14 =	vor.u32 $0x2, v61;
	v30 =	vadd.f32 v30, v32;
	v32 =	vld.idx.msk [tilespmem:v12+s3+$0x0], $0xffff;
	[tilespmem:v39+s20+$0x0] =	vst.idx.msk $0xffff, v27;
	v27 =	vor.u32 $0x6, v17  }
0x290: {  	v34 =	vadd.f32 v34, v22;
	v37 =	vmul.f32 v37, v5;
	v62 =	vmul.f32 v24, v41;
	v24 =	vld.idx.msk [tilespmem:v10+s3+$0x0], $0xffff  }
0x291: {  	v31 =	vadd.f32 v52, v23;
	v52 =	vor.u32 $0xA, v17;
	v58 =	vmul.f32 v55, v53;
	v55 =	vld.idx.msk [tilespmem:v17+s19+$0x0], $0xffff  }
0x292: {  	v13 =	vadd.f32 v34, v13;
	v53 =	vor.u32 $0xB, v17;
	v37 =	vsub.f32 v30, v37;
	v30 =	vld.idx.msk [tilespmem:v57+s19+$0x0], $0xffff  }
0x293: {  	v38 =	vmul.f32 v56, v41;
	v31 =	vadd.f32 v60, v31;
	v15 =	vld.idx.msk [tilespmem:v21+s19+$0x0], $0xffff  }
0x294: {  	v28 =	vsub.f32 v35, v28;
	v20 =	vadd.f32 v20, v13;
	v40 =	vmul.f32 v58, v5;
	v27 =	vld.idx.msk [tilespmem:v27+s19+$0x0], $0xffff  }
0x295: {  	v31 =	vadd.f32 v31, v62;
	v13 =	vor.u32 $0x3, v61;
	v56 =	vmul.f32 v38, v5;
	v39 =	vld.idx.msk [tilespmem:v14+s3+$0x0], $0xffff  }
0x296: {  	[tilespmem:v18+s20+$0x0] =	vst.idx.msk $0xffff, v37;
	v57 =	vmul.f32 v48, v32;
	v18 =	vsub.f32 v20, v40;
	v20 =	vld.idx.msk [tilespmem:v52+s19+$0x0], $0xffff  }
0x297: {  	v16 =	vmul.f32 v16, v32;
	v31 =	vsub.f32 v31, v56;
	v58 =	vmul.f32 v48, v24;
	v34 =	vld.idx.msk [tilespmem:v53+s19+$0x0], $0xffff  }
0x298: {  	v60 =	vmul.f32 v30, v32;
	[tilespmem:v19+s20+$0x0] =	vst.idx.msk $0xffff, v18;
	v18 =	vmul.f32 v45, v24  }
0x299: {  	v19 =	vor.u32 $0xF, v17;
	v16 =	vadd.f32 v58, v16;
	v17 =	vmul.f32 v27, v32  }
0x29a: {  	[tilespmem:v59+s20+$0x0] =	vst.idx.msk $0xffff, v31;
	v31 =	vmul.f32 v55, v24;
	v35 =	vld.idx.msk [tilespmem:v13+s3+$0x0], $0xffff;
	v59 =	vmul.f32 v15, v24  }
0x29b: {  	v20 =	vmul.f32 v20, v39;
	v61 =	vadd.f32 v17, v18;
	v17 =	vmul.f32 v27, v39  }
0x29c: {  	v62 =	vmul.f32 v34, v39;
	v18 =	vadd.f32 v57, v31;
	v27 =	vmul.f32 v45, v39  }
0x29d: {  	v31 =	vadd.f32 v60, v59;
	v45 =	vmul.f32 v24, v24;
	v36 =	vadd.f32 v17, v16  }
0x29e: {  	v17 =	vmul.f32 v32, v32;
	v40 =	vadd.f32 v27, v18;
	v18 =	vmul.f32 v39, v39  }
0x29f: {  	s25 =	simm.s32 $0x50;
	s24 =	simm.s32 $0x2;
	v41 =	vld.idx.msk [tilespmem:v19+s19+$0x0], $0xffff;
	v38 =	vadd.f32 v61, v20;
	v16 =	vmul.f32 v35, v35;
	v37 =	vadd.f32 v62, v31  }
.LBB2_2:
0x2a0: {  	s26 =	sadd.s32 $0xFFFFFFF0, s25;
	v19 =	vmov s25;
	v32 =	vmul.f32 v17, v32;
	v39 =	vmul.f32 v18, v39;
	s23 =	sadd.s32 $0x20, s23;
	[tilespmem:v8+s20+$0x0] =	vst.idx.msk $0xffff, v28;
	v8 =	vmovc v13  }
0x2a1: {  	v48 =	vmul.f32 v16, v35;
	v13 =	vmov s26;
	v28 =	vld [tilespmem:s23+$0x0];
	v17 =	vshll.u32 v19, $0x2  }
0x2a2: {  	v15 =	vmul.f32 v15, v35;
	v49 =	vld [tilespmem:s23+$0xFFFFFFF0];
	v13 =	vshll.u32 v13, $0x2;
	v27 =	vor.u32 v9, v17  }
0x2a3: {  	v30 =	vmul.f32 v30, v35;
	v17 =	vor.u32 v9, v13;
	v19 =	vor.u32 $0x2, v27  }
0x2a4: {  	v34 =	vmul.f32 v34, v35;
	v18 =	vor.u32 $0x3, v27;
	v13 =	vand.u32 $0xFBC, v17  }
0x2a5: {  	v31 =	vor.u32 $0x1, v27;
	v20 =	vor.u32 $0x1, v13;
	v16 =	vor.u32 $0x2, v13  }
0x2a6: {  	v35 =	vmul.f32 v41, v35;
	v13 =	vor.u32 $0x3, v13;
	v28 =	vshll.u32 v28, $0x4  }
0x2a7: {  	v24 =	vmul.f32 v45, v24;
	v41 =	vshll.u32 v49, $0x4;
	v49 =	vld.idx.msk [tilespmem:v27+s3+$0x0], $0xffff;
	v51 =	vor.u32 $0xB, v28  }
0x2a8: {  	v55 =	vor.u32 $0x1, v28;
	v45 =	vor.u32 $0x5, v41;
	v52 =	vor.u32 $0x1, v41;
	v53 =	vld.idx.msk [tilespmem:v19+s3+$0x0], $0xffff  }
0x2a9: {  	s24 =	sadd.s32 $0x2, s24;
	v59 =	vor.u32 $0x3, v28;
	v56 =	vor.u32 $0x2, v41;
	v57 =	vor.u32 $0x3, v41;
	v58 =	vld.idx.msk [tilespmem:v18+s3+$0x0], $0xffff  }
0x2aa: {  	p0 =	slt.u32 s24, $0x3E;
	v0 =	vor.u32 $0x7, v28;
	v60 =	vor.u32 $0x6, v41;
	v61 =	vor.u32 $0x7, v41;
	v62 =	vld.idx.msk [tilespmem:v31+s3+$0x0], $0xffff  }
0x2ab: {  	v6 =	vor.u32 $0x2, v28;
	v2 =	vor.u32 $0xA, v41;
	v3 =	vor.u32 $0xB, v41;
	v4 =	vld.idx.msk [tilespmem:v28+s19+$0x0], $0xffff  }
0x2ac: {  	v15 =	vadd.f32 v15, v40;
	v11 =	vor.u32 $0x6, v28;
	v7 =	vor.u32 $0xF, v41;
	v51 =	vld.idx.msk [tilespmem:v51+s19+$0x0], $0xffff  }
0x2ad: {  	v30 =	vadd.f32 v30, v36;
	v34 =	vadd.f32 v34, v38;
	v40 =	vor.u32 $0x5, v28;
	v55 =	vld.idx.msk [tilespmem:v55+s19+$0x0], $0xffff  }
0x2ae: {  	v32 =	vmul.f32 v32, v5;
	v38 =	vmul.f32 v39, v5;
	v35 =	vadd.f32 v37, v35;
	v36 =	vld.idx.msk [tilespmem:v59+s19+$0x0], $0xffff  }
0x2af: {  	v37 =	vmul.f32 v48, v5;
	v24 =	vmul.f32 v24, v5;
	v0 =	vld.idx.msk [tilespmem:v0+s19+$0x0], $0xffff  }
0x2b0: {  	v39 =	vor.u32 $0xA, v28;
	v48 =	vmul.f32 v49, v49;
	v59 =	vmul.f32 v62, v62;
	v6 =	vld.idx.msk [tilespmem:v6+s19+$0x0], $0xffff  }
0x2b1: {  	v15 =	vsub.f32 v15, v24;
	v21 =	vmul.f32 v53, v53;
	v22 =	vmul.f32 v58, v58;
	v11 =	vld.idx.msk [tilespmem:v11+s19+$0x0], $0xffff  }
0x2b2: {  	v24 =	vld.idx.msk [tilespmem:v40+s19+$0x0], $0xffff;
	v40 =	vor.u32 $0xF, v28;
	v28 =	vmul.f32 v48, v49;
	v48 =	vmul.f32 v59, v62  }
0x2b3: {  	v30 =	vsub.f32 v30, v32;
	v21 =	vmul.f32 v21, v53;
	v22 =	vmul.f32 v22, v58;
	v45 =	vld.idx.msk [tilespmem:v45+s19+$0x0], $0xffff  }
0x2b4: {  	v32 =	vsub.f32 v34, v38;
	v4 =	vmul.f32 v4, v49;
	v52 =	vld.idx.msk [tilespmem:v52+s19+$0x0], $0xffff;
	v59 =	vmul.f32 v28, v5  }
0x2b5: {  	v38 =	vmul.f32 v36, v58;
	v28 =	vsub.f32 v35, v37;
	v34 =	vld.idx.msk [tilespmem:v39+s19+$0x0], $0xffff;
	v39 =	vmul.f32 v0, v58  }
0x2b6: {  	v35 =	vmul.f32 v6, v53;
	v37 =	vld.idx.msk [tilespmem:v56+s19+$0x0], $0xffff;
	v56 =	vmul.f32 v51, v58;
	[tilespmem:v10+s20+$0x0] =	vst.idx.msk $0xffff, v15  }
0x2b7: {  	v23 =	vmul.f32 v11, v53;
	v10 =	vld.idx.msk [tilespmem:v40+s19+$0x0], $0xffff;
	v40 =	vmul.f32 v55, v62;
	[tilespmem:v12+s20+$0x0] =	vst.idx.msk $0xffff, v30  }
0x2b8: {  	v12 =	vmul.f32 v55, v49;
	v24 =	vmul.f32 v24, v62;
	v15 =	vld.idx.msk [tilespmem:v57+s19+$0x0], $0xffff;
	[tilespmem:v14+s20+$0x0] =	vst.idx.msk $0xffff, v32  }
0x2b9: {  	v6 =	vmul.f32 v6, v49;
	v11 =	vmul.f32 v11, v62;
	v55 =	vld.idx.msk [tilespmem:v60+s19+$0x0], $0xffff;
	v4 =	vadd.f32 v40, v4  }
0x2ba: {  	v0 =	vmul.f32 v0, v62;
	v14 =	vmul.f32 v36, v49;
	v12 =	vadd.f32 v12, v24;
	v30 =	vld.idx.msk [tilespmem:v61+s19+$0x0], $0xffff  }
0x2bb: {  	v6 =	vadd.f32 v11, v6;
	v11 =	vmul.f32 v34, v53;
	v32 =	vld.idx.msk [tilespmem:v20+s3+$0x0], $0xffff;
	v4 =	vadd.f32 v35, v4  }
0x2bc: {  	v0 =	vadd.f32 v0, v14;
	v14 =	vmul.f32 v51, v53;
	v12 =	vadd.f32 v23, v12;
	v36 =	vld.idx.msk [tilespmem:v41+s19+$0x0], $0xffff  }
0x2bd: {  	v6 =	vadd.f32 v6, v11;
	v10 =	vmul.f32 v10, v58;
	v24 =	vld.idx.msk [tilespmem:v17+s3+$0x0], $0xffff;
	v4 =	vadd.f32 v38, v4  }
0x2be: {  	v0 =	vadd.f32 v14, v0;
	v11 =	vadd.f32 v39, v12;
	v12 =	vmul.f32 v48, v5;
	v2 =	vld.idx.msk [tilespmem:v2+s19+$0x0], $0xffff  }
0x2bf: {  	v34 =	vld.idx.msk [tilespmem:v3+s19+$0x0], $0xffff;
	v3 =	vsub.f32 v4, v59;
	v4 =	vadd.f32 v56, v6;
	v6 =	vmul.f32 v21, v5  }
0x2c0: {  	v0 =	vadd.f32 v0, v10;
	v11 =	vsub.f32 v11, v12;
	v12 =	vmul.f32 v22, v5;
	v39 =	vld.idx.msk [tilespmem:v16+s3+$0x0], $0xffff  }
0x2c1: {  	v21 =	vmul.f32 v52, v32;
	v35 =	vld.idx.msk [tilespmem:v13+s3+$0x0], $0xffff;
	v4 =	vsub.f32 v4, v6;
	[tilespmem:v27+s20+$0x0] =	vst.idx.msk $0xffff, v3  }
0x2c2: {  	v3 =	vmul.f32 v45, v32;
	v0 =	vsub.f32 v0, v12;
	v41 =	vld.idx.msk [tilespmem:v7+s19+$0x0], $0xffff;
	[tilespmem:v31+s20+$0x0] =	vst.idx.msk $0xffff, v11  }
0x2c3: {  	v10 =	vmov v17;
	v6 =	vmul.f32 v52, v24;
	v7 =	vmul.f32 v37, v24;
	[tilespmem:v19+s20+$0x0] =	vst.idx.msk $0xffff, v4  }
0x2c4: {  	v11 =	vmul.f32 v15, v24;
	v4 =	vmul.f32 v55, v32;
	v12 =	vmov v20;
	[tilespmem:v18+s20+$0x0] =	vst.idx.msk $0xffff, v0  }
0x2c5: {  	v14 =	vmovc v16;
	v0 =	vmul.f32 v36, v24;
	v3 =	vadd.f32 v6, v3;
	v6 =	vmul.f32 v30, v32  }
.Ltmp0:
0x2c6: {  	v16 =	vmul.f32 v37, v39;
	v17 =	vmul.f32 v55, v39;
	v4 =	vadd.f32 v4, v7;
	(pc) =	sbr.rel @p0 .LBB2_2-.Ltmp0, $4  }
0x2c7: {  	v2 =	vmul.f32 v2, v39;
	v0 =	vadd.f32 v21, v0;
	v6 =	vadd.f32 v6, v11  }
0x2c8: {  	v36 =	vadd.f32 v17, v3;
	v17 =	vmul.f32 v32, v32;
	v3 =	vmul.f32 v34, v39  }
0x2c9: {  	v18 =	vmul.f32 v39, v39;
	v40 =	vadd.f32 v16, v0;
	v16 =	vmul.f32 v35, v35  }
0x2ca: {  	s25 =	sadd.s32 $0x20, s25;
	v45 =	vmul.f32 v24, v24;
	v38 =	vadd.f32 v4, v2;
	v37 =	vadd.f32 v3, v6  }
0x2cb: {  	_ =	sdelay $0x1  }
0x2cc: {  	v0 =	vmul.f32 v17, v32;
	v2 =	vmul.f32 v18, v39  }
0x2cd: {  	v3 =	vmul.f32 v15, v35;
	v4 =	vmul.f32 v45, v24  }
0x2ce: {  	[tilespmem:v8+s20+$0x0] =	vst.idx.msk $0xffff, v28;
	v6 =	vmul.f32 v16, v35;
	v7 =	vmul.f32 v30, v35  }
0x2cf: {  	v8 =	vmul.f32 v34, v35;
	v3 =	vadd.f32 v3, v40;
	v4 =	vmul.f32 v4, v5  }
0x2d0: {  	v11 =	vmul.f32 v41, v35;
	v7 =	vadd.f32 v7, v36;
	v0 =	vmul.f32 v0, v5  }
0x2d1: {  	v8 =	vadd.f32 v8, v38;
	v2 =	vmul.f32 v2, v5;
	v3 =	vsub.f32 v3, v4  }
0x2d2: {  	v61 =	vadd.f32 v37, v11;
	v62 =	vmul.f32 v6, v5;
	v0 =	vsub.f32 v7, v0  }
0x2d3: {  	v2 =	vsub.f32 v8, v2;
	[tilespmem:v10+s20+$0x0] =	vst.idx.msk $0xffff, v3  }
0x2d4: {  	s22 =	sadd.s32 $0x1, s22;
	v3 =	vsub.f32 v61, v62;
	[tilespmem:v12+s20+$0x0] =	vst.idx.msk $0xffff, v0  }
0x2d5: {  	p0 =	sne.s32 s22, s11;
	[tilespmem:v14+s20+$0x0] =	vst.idx.msk $0xffff, v2  }
.Ltmp1:
0x2d6: {  	[tilespmem:v13+s20+$0x0] =	vst.idx.msk $0xffff, v3;
	(pc) =	sbr.rel @p0 .LBB2_1-.Ltmp1, $4  }
0x2d7: {  	[hbm4b:s10+s3] =	stream.linear.scatter [tilespmem:s20], [sflag:$0x2], $0x1000, $0x38;
	[tilespmem:$0x2E80] =	vst v63  }
0x2d8: {  	_ =	swait.ge [sflag:s21], $0x1000  }
0x2d9: {  	[sflag:s21] =	ssyncset.done $0x0  }
0x2da: {  	[sflag:s21] =	ssyncadd.s32 $0xFFFFF000  }
0x2db: {  	_ =	sfence.sel $0x180000  }
0x2dc: {  	[bflag:$0x0] =	sbarrier.arrive $0xFFFF  }
0x2dd: {  	p0 =	sne.s32 s4, $0x0;
	_ =	strace $0x90000047  }
0x2de: {  	s0 =	sadd.s32 @!p0 $0x100000, s1;
	[bflag:$0x2] =	sbarrier.arrive $0xFFFF  }
0x2df: {  	[sflag:s0] =	ssyncadd.tile.s32 @!p0 $0x1;
	_ =	shalt  }
.Lfunc_end2:
_tile_overlayer_lowered:
.L_overlay_start_2:
0x2e0: {  	(tag) =	ssettag $0x2  }
0x2e1: {  	s0 =	rddreg [dreg:$0x0];
	s2 =	stileid.u32  }
0x2e2: {  	s1 =	rddreg [dreg:$0x1];
	p0 =	sne.s32 s2, $0x0  }
0x2e3: {  	s3 =	rddreg [dreg:$0x2];
	[bflag:$0x3] =	sbarrier.arrive $0xFFFF;
	s2 =	simm.s32 @!p0 $0x1C02  }
0x2e4: {  	[timem:s3], [sflag:s2] =	dma.local @!p0 [hbm:s0], s1  }
0x2e5: {  	s0 =	simm.s32 @!p0 $0x2  }
0x2e6: {  	_ =	swait.ge @!p0 [sflag:s0], s1  }
0x2e7: {  	s1 =	ssub.s32 @!p0 $0x0, s1;
	[sflag:s0] =	ssyncset.done @!p0 $0x0  }
0x2e8: {  	[sflag:s0] =	ssyncadd.s32 @!p0 s1  }
0x2e9: {  	[bflag:$0x3] =	sbarrier.arrive $0xFFFF  }
0x2ea: {  	_ =	shalt  }

</sc_bundles>
